<compile_context>
chip_gen: v7x
topology: tpu7x:2x2x1
jax: 0.10.2.dev20260603
libtpu: 0.0.44.dev20260713+nightly
codegen_flags: <defaults>
</compile_context>

<pallas_src>
import functools

import jax
import jax.numpy as jnp
from jax import lax
from jax.experimental import pallas as pl
from jax.experimental.pallas import tpu as pltpu
from jax.experimental.pallas import tpu_sc as plsc

N_NODES = 10000
D_FEAT = 128
N_EDGES = 320000
CGLS_IT = 10
EPS = 0.01

NC = 2
NS = 16
L = 16
NW = NC * NS
CPT = D_FEAT // NW
CHUNK = 6400
NCHUNKS = N_EDGES // CHUNK
GROUPS = CHUNK // L
NODE_VECS = N_NODES // L


def _take16(x, idx):
    dnums = lax.GatherDimensionNumbers(
        offset_dims=(), collapsed_slice_dims=(0,), start_index_map=(0,))
    return lax.gather(x, idx[:, None], dnums, (1,),
                      mode=lax.GatherScatterMode.PROMISE_IN_BOUNDS)


def _spmv_body(x_hbm, gidx_hbm, sidx_hbm, w_hbm, out_hbm, psum_hbm,
               x_v, out_v, g_v, s_v, w_v, acc_v, sem0, sem1):
    wid = lax.axis_index("s") * NC + lax.axis_index("c")
    c0 = wid * CPT
    sems = (sem0, sem1)

    pltpu.sync_copy(x_hbm.at[pl.ds(c0, CPT)], x_v)

    def zero_body(j, _):
        z = jnp.zeros((L,), jnp.float32)
        for c in range(CPT):
            out_v[jnp.int32(c), pl.ds(j * L, L)] = z
        return 0
    lax.fori_loop(jnp.int32(0), jnp.int32(NODE_VECS), zero_body, 0)

    iota = lax.iota(jnp.int32, L)
    lane_lt = iota < (L - 1)
    rot_prev = (iota + (L - 1)) % L
    rot_next = (iota + 1) % L

    def chunk_body(ci, _):
        base = ci * CHUNK
        bi = jnp.int32(0)
        pltpu.sync_copy(gidx_hbm.at[pl.ds(base, CHUNK)], g_v.at[bi])
        pltpu.sync_copy(sidx_hbm.at[pl.ds(base, CHUNK)],
                        s_v.at[bi, pl.ds(0, CHUNK)])
        pltpu.sync_copy(w_hbm.at[pl.ds(base, CHUNK)], w_v.at[bi])

        def grp(g, _):
            o = g * L
            gi = g_v[bi, pl.ds(o, L)]
            si = s_v[bi, pl.ds(o, L)]
            wv = w_v[bi, pl.ds(o, L)]
            for c in range(CPT):
                cc = jnp.full((L,), c, jnp.int32)
                v = plsc.load_gather(x_v, [cc, gi]) * wv
                plsc.addupdate_scatter(out_v, [cc, si], v)
            return 0
        lax.fori_loop(jnp.int32(0), jnp.int32(GROUPS), grp, 0)
        return 0
    lax.fori_loop(jnp.int32(0), jnp.int32(NCHUNKS), chunk_body, 0)

    def red(j, acc):
        for c in range(CPT):
            v = out_v[jnp.int32(c), pl.ds(j * L, L)]
            acc = acc + v * v
        return acc
    acc = lax.fori_loop(jnp.int32(0), jnp.int32(NODE_VECS), red, jnp.zeros((L,), jnp.float32))
    acc_v[...] = acc
    pltpu.sync_copy(out_v, out_hbm.at[pl.ds(c0, CPT)])
    pltpu.sync_copy(acc_v, psum_hbm.at[wid])


_sc_mesh = plsc.VectorSubcoreMesh(core_axis_name="c", subcore_axis_name="s")

_spmv = pl.kernel(
    _spmv_body,
    out_type=[
        jax.ShapeDtypeStruct((D_FEAT, N_NODES), jnp.float32),
        jax.ShapeDtypeStruct((NW, L), jnp.float32),
    ],
    mesh=_sc_mesh,
    compiler_params=pltpu.CompilerParams(needs_layout_passes=False),
    scratch_types=[
        pltpu.VMEM((CPT, N_NODES), jnp.float32),
        pltpu.VMEM((CPT, N_NODES), jnp.float32),
        pltpu.VMEM((2, CHUNK), jnp.int32),
        pltpu.VMEM((2, CHUNK + L), jnp.int32),
        pltpu.VMEM((2, CHUNK), jnp.float32),
        pltpu.VMEM((L,), jnp.float32),
        pltpu.SemaphoreType.DMA,
        pltpu.SemaphoreType.DMA,
    ],
)


def _setup_body(b_ref, ax_ref, r_ref, bn2_ref, rn2_ref):
    bb = b_ref[...]
    rr = bb - ax_ref[...]
    r_ref[...] = rr
    bn2_ref[0, 0] = jnp.sum(bb * bb)
    rn2_ref[0, 0] = jnp.sum(rr * rr)


_tc_setup = pl.pallas_call(
    _setup_body,
    out_shape=[
        jax.ShapeDtypeStruct((D_FEAT, N_NODES), jnp.float32),
        jax.ShapeDtypeStruct((1, 1), jnp.float32),
        jax.ShapeDtypeStruct((1, 1), jnp.float32),
    ],
    out_specs=[
        pl.BlockSpec(memory_space=pltpu.VMEM),
        pl.BlockSpec(memory_space=pltpu.SMEM),
        pl.BlockSpec(memory_space=pltpu.SMEM),
    ],
)


def _update_body(a_ref, x_ref, p_ref, r_ref, q_ref, xo_ref, ro_ref, rn2_ref):
    a = a_ref[0, 0]
    xo_ref[...] = x_ref[...] + a * p_ref[...]
    rr = r_ref[...] - a * q_ref[...]
    ro_ref[...] = rr
    rn2_ref[0, 0] = jnp.sum(rr * rr)


_tc_update = pl.pallas_call(
    _update_body,
    in_specs=[
        pl.BlockSpec(memory_space=pltpu.SMEM),
        pl.BlockSpec(memory_space=pltpu.VMEM),
        pl.BlockSpec(memory_space=pltpu.VMEM),
        pl.BlockSpec(memory_space=pltpu.VMEM),
        pl.BlockSpec(memory_space=pltpu.VMEM),
    ],
    out_shape=[
        jax.ShapeDtypeStruct((D_FEAT, N_NODES), jnp.float32),
        jax.ShapeDtypeStruct((D_FEAT, N_NODES), jnp.float32),
        jax.ShapeDtypeStruct((1, 1), jnp.float32),
    ],
    out_specs=[
        pl.BlockSpec(memory_space=pltpu.VMEM),
        pl.BlockSpec(memory_space=pltpu.VMEM),
        pl.BlockSpec(memory_space=pltpu.SMEM),
    ],
)


def _pupd_body(c_ref, s_ref, p_ref, po_ref):
    po_ref[...] = c_ref[0, 0] * s_ref[...] + c_ref[0, 1] * p_ref[...]


_tc_pupd = pl.pallas_call(
    _pupd_body,
    in_specs=[
        pl.BlockSpec(memory_space=pltpu.SMEM),
        pl.BlockSpec(memory_space=pltpu.VMEM),
        pl.BlockSpec(memory_space=pltpu.VMEM),
    ],
    out_shape=jax.ShapeDtypeStruct((D_FEAT, N_NODES), jnp.float32),
    out_specs=pl.BlockSpec(memory_space=pltpu.VMEM),
)


def kernel(b, xref, edge_index, edge_weights):
    src = edge_index[0].astype(jnp.int32)
    dst = edge_index[1].astype(jnp.int32)
    w = edge_weights.astype(jnp.float32)
    out, ps = _spmv(jnp.transpose(xref), src, dst, w)
    o = jnp.transpose(out)
    return o, b - o + jnp.sum(ps) * 0.0

# --- scband reference (transcript-rebuilt; emitter-appended) ---
"""Pipeline reference for scband-graph-cgls-43284680409679 (READ-ONLY COPY).

The authoritative reference and input builder live on the scoring server;
editing this copy changes nothing except your own understanding.
"""

import jax
jax.config.update("jax_enable_x64", True)
import jax.numpy as jnp
import numpy as np

N_NODES = 10000
N_EDGES = 320000
D_FEAT = 128
CGLS_IT = 10
EPS = 0.01


def forOp(x, edge_index, edge_weights):
    # A @ x : weighted message passing, aggregate src features into dst nodes
    src = edge_index[0]
    dst = edge_index[1]
    msg = edge_weights[:, None] * jnp.take(x, src, axis=0)
    return jax.ops.segment_sum(msg, dst, num_segments=N_NODES)


def adjointOp(r, edge_index, edge_weights):
    # A^T @ r : transpose operator, aggregate dst residuals into src nodes
    src = edge_index[0]
    dst = edge_index[1]
    msg = edge_weights[:, None] * jnp.take(r, dst, axis=0)
    return jax.ops.segment_sum(msg, src, num_segments=N_NODES)


def setup_inputs(seed: int = 0) -> dict:
    key = jax.random.key(seed)
    k1, k2, k3, k4 = jax.random.split(key, 4)
    b = jax.random.normal(k1, (N_NODES, D_FEAT), dtype=jnp.float32)
    xref = jax.random.normal(k2, (N_NODES, D_FEAT), dtype=jnp.float32)
    edge_index = jax.random.randint(k3, (2, N_EDGES), 0, N_NODES, dtype=jnp.int64)
    edge_weights = jax.random.uniform(k4, (N_EDGES,), dtype=jnp.float32)
    return {"b": b, "xref": xref, "edge_index": edge_index, "edge_weights": edge_weights}


def reference(b, xref, edge_index, edge_weights):
    # CGLS iterations solving min ||A x - b|| with A = weighted graph operator
    x = xref
    r = b - forOp(x, edge_index, edge_weights)
    bnorm = jnp.linalg.norm(b)
    done = (jnp.linalg.norm(r) / bnorm) < EPS
    s = adjointOp(r, edge_index, edge_weights)
    p = s
    norms0 = jnp.linalg.norm(s)
    gamma = norms0 ** 2
    for k in range(CGLS_IT):
        q = forOp(p, edge_index, edge_weights)
        delta = jnp.linalg.norm(q) ** 2
        alpha = gamma / delta
        active = jnp.logical_not(done)
        x = jnp.where(active, x + alpha * p, x)
        r = jnp.where(active, r - alpha * q, r)
        done = jnp.logical_or(done, (jnp.linalg.norm(r) / bnorm) < EPS)
        active = jnp.logical_not(done)
        s = adjointOp(r, edge_index, edge_weights)
        norms = jnp.linalg.norm(s)
        gamma1 = gamma
        gamma_new = norms ** 2
        beta = gamma_new / gamma1
        p = jnp.where(active, s + beta * p, p)
        gamma = jnp.where(active, gamma_new, gamma)
    return (x, r)

if __name__ == "__main__":
    import jax
    _d = setup_inputs()
    print(jax.jit(kernel)(*tuple(_d.values())))

</pallas_src>

<mosaic_0001>
#map = affine_map<(d0, d1) -> (0, 0)>
#map1 = affine_map<(d0, d1) -> (0)>
module attributes {stable_mosaic.version = 14 : i64} {
  func.func @_spmv_body(%arg0: i32, %arg1: i32, %arg2: memref<128x10000xf32, #tpu.memory_space<hbm>>, %arg3: memref<320000xi32, #tpu.memory_space<hbm>>, %arg4: memref<320000xi32, #tpu.memory_space<hbm>>, %arg5: memref<320000xf32, #tpu.memory_space<hbm>>, %arg6: memref<128x10000xf32, #tpu.memory_space<hbm>>, %arg7: memref<32x16xf32, #tpu.memory_space<hbm>>, %arg8: memref<4x10000xf32, #tpu.memory_space<vmem>>, %arg9: memref<4x10000xf32, #tpu.memory_space<vmem>>, %arg10: memref<2x6400xi32, #tpu.memory_space<vmem>>, %arg11: memref<2x6416xi32, #tpu.memory_space<vmem>>, %arg12: memref<2x6400xf32, #tpu.memory_space<vmem>>, %arg13: memref<16xf32, #tpu.memory_space<vmem>>, %arg14: memref<!tpu.dma_semaphore, #tpu.memory_space<semaphore_mem>>, %arg15: memref<!tpu.dma_semaphore, #tpu.memory_space<semaphore_mem>>) attributes {dimension_semantics = [#tpu.dimension_semantics<core_parallel>, #tpu.dimension_semantics<subcore_parallel>], iteration_bounds = array<i64: 2, 16>, scalar_prefetch = 0 : i64, scratch_operands = 8 : i64, tpu.core_type = #tpu.core_type<sc_vector_subcore>, window_params = [{transform_indices = #map}, {transform_indices = #map1}, {transform_indices = #map1}, {transform_indices = #map1}, {transform_indices = #map}, {transform_indices = #map}]} {
    %mul3A = arith.constant 2 : i32
    %mul3A_0 = arith.muli %arg1, %mul3A : i32
    %add3A = arith.addi %mul3A_0, %arg0 : i32
    %mul3A_1 = arith.constant 4 : i32
    %mul3A_2 = arith.muli %add3A, %mul3A_1 : i32
    "tpu.region"() ({
      %run_scoped3A = tpu.sem_alloc : memref<!tpu.dma_semaphore, #tpu.memory_space<semaphore_mem>>
      %dma_start3A = arith.constant 0 : i32
      %dma_start3A_89 = tpu.memref_slice %arg2[%mul3A_2, %dma_start3A] : memref<128x10000xf32, #tpu.memory_space<hbm>> -> memref<4x10000xf32, #tpu.memory_space<hbm>>
      %dma_start3A_90 = arith.constant 0 : i32
      %dma_start3A_91 = tpu.memref_slice %arg2[%mul3A_2, %dma_start3A_90] : memref<128x10000xf32, #tpu.memory_space<hbm>> -> memref<4x10000xf32, #tpu.memory_space<hbm>>
      tpu.enqueue_dma source(%dma_start3A_91 : memref<4x10000xf32, #tpu.memory_space<hbm>>) target(%arg8 : memref<4x10000xf32, #tpu.memory_space<vmem>>) target_semaphore(%run_scoped3A : memref<!tpu.dma_semaphore, #tpu.memory_space<semaphore_mem>>)
      %dma_wait3A = arith.constant 0 : i32
      %dma_wait3A_92 = tpu.memref_slice %arg2[%mul3A_2, %dma_wait3A] : memref<128x10000xf32, #tpu.memory_space<hbm>> -> memref<4x10000xf32, #tpu.memory_space<hbm>>
      %dma_wait3A_93 = arith.constant 0 : i32
      %dma_wait3A_94 = tpu.memref_slice %arg2[%mul3A_2, %dma_wait3A_93] : memref<128x10000xf32, #tpu.memory_space<hbm>> -> memref<4x10000xf32, #tpu.memory_space<hbm>>
      tpu.wait_dma2 semaphore(%run_scoped3A : memref<!tpu.dma_semaphore, #tpu.memory_space<semaphore_mem>>) src(%dma_wait3A_94 : memref<4x10000xf32, #tpu.memory_space<hbm>>) dst(%arg8 : memref<4x10000xf32, #tpu.memory_space<vmem>>)
      tpu.yield
    }) : () -> ()
    %while3A = arith.constant 0 : i32
    %while3A_3 = arith.constant 625 : i32
    %while3A_4 = arith.constant 0 : i64
    %while3A_5 = arith.subi %while3A_3, %while3A : i32
    %while3A_6 = arith.addi %while3A, %while3A_5 : i32
    %while3A_7 = arith.constant 1 : i32
    %while3A_8 = arith.divsi %while3A_5, %while3A_7 : i32
    %while3A_9 = arith.muli %while3A_8, %while3A_7 : i32
    %while3A_10 = arith.addi %while3A, %while3A_9 : i32
    %while3A_11 = arith.constant 1 : i32
    %while3A_12 = scf.for %while3A_89 = %while3A to %while3A_10 step %while3A_11 iter_args(%while3A_90 = %while3A_4) -> (i64)  : i32 {
      %broadcast_in_dim3A_91 = arith.constant 0.000000e+00 : f32
      %broadcast_in_dim3A_92 = vector.broadcast %broadcast_in_dim3A_91 : f32 to vector<16xf32>
      %mul3A_93 = arith.constant 16 : i32
      %mul3A_94 = arith.muli %while3A_89, %mul3A_93 : i32
      %swap3A_95 = arith.constant 0 : i32
      %swap3A_96 = arith.index_cast %swap3A_95 : i32 to index
      %swap3A_97 = arith.index_cast %mul3A_94 : i32 to index
      %swap3A_98 = tpu.vector_load %arg9[%swap3A_96, %swap3A_97] {strides = array<i32>} : memref<4x10000xf32, #tpu.memory_space<vmem>>, vector<16xf32>,
      tpu.vector_store %arg9[%swap3A_96, %swap3A_97], %broadcast_in_dim3A_92 {strides = array<i32>} : memref<4x10000xf32, #tpu.memory_space<vmem>>, vector<16xf32>,
      %mul3A_99 = arith.constant 16 : i32
      %mul3A_100 = arith.muli %while3A_89, %mul3A_99 : i32
      %swap3A_101 = arith.constant 1 : i32
      %swap3A_102 = arith.index_cast %swap3A_101 : i32 to index
      %swap3A_103 = arith.index_cast %mul3A_100 : i32 to index
      %swap3A_104 = tpu.vector_load %arg9[%swap3A_102, %swap3A_103] {strides = array<i32>} : memref<4x10000xf32, #tpu.memory_space<vmem>>, vector<16xf32>,
      tpu.vector_store %arg9[%swap3A_102, %swap3A_103], %broadcast_in_dim3A_92 {strides = array<i32>} : memref<4x10000xf32, #tpu.memory_space<vmem>>, vector<16xf32>,
      %mul3A_105 = arith.constant 16 : i32
      %mul3A_106 = arith.muli %while3A_89, %mul3A_105 : i32
      %swap3A_107 = arith.constant 2 : i32
      %swap3A_108 = arith.index_cast %swap3A_107 : i32 to index
      %swap3A_109 = arith.index_cast %mul3A_106 : i32 to index
      %swap3A_110 = tpu.vector_load %arg9[%swap3A_108, %swap3A_109] {strides = array<i32>} : memref<4x10000xf32, #tpu.memory_space<vmem>>, vector<16xf32>,
      tpu.vector_store %arg9[%swap3A_108, %swap3A_109], %broadcast_in_dim3A_92 {strides = array<i32>} : memref<4x10000xf32, #tpu.memory_space<vmem>>, vector<16xf32>,
      %mul3A_111 = arith.constant 16 : i32
      %mul3A_112 = arith.muli %while3A_89, %mul3A_111 : i32
      %swap3A_113 = arith.constant 3 : i32
      %swap3A_114 = arith.index_cast %swap3A_113 : i32 to index
      %swap3A_115 = arith.index_cast %mul3A_112 : i32 to index
      %swap3A_116 = tpu.vector_load %arg9[%swap3A_114, %swap3A_115] {strides = array<i32>} : memref<4x10000xf32, #tpu.memory_space<vmem>>, vector<16xf32>,
      tpu.vector_store %arg9[%swap3A_114, %swap3A_115], %broadcast_in_dim3A_92 {strides = array<i32>} : memref<4x10000xf32, #tpu.memory_space<vmem>>, vector<16xf32>,
      %while3A_117 = arith.constant 0 : i64
      scf.yield %while3A_117 : i64
    }
    %while3A_13 = arith.constant 1 : i32
    %while3A_14 = scf.for %while3A_89 = %while3A_10 to %while3A_6 step %while3A_13 iter_args(%while3A_90 = %while3A_12) -> (i64)  : i32 {
      %broadcast_in_dim3A_91 = arith.constant 0.000000e+00 : f32
      %broadcast_in_dim3A_92 = vector.broadcast %broadcast_in_dim3A_91 : f32 to vector<16xf32>
      %mul3A_93 = arith.constant 16 : i32
      %mul3A_94 = arith.muli %while3A_89, %mul3A_93 : i32
      %swap3A_95 = arith.constant 0 : i32
      %swap3A_96 = arith.index_cast %swap3A_95 : i32 to index
      %swap3A_97 = arith.index_cast %mul3A_94 : i32 to index
      %swap3A_98 = tpu.vector_load %arg9[%swap3A_96, %swap3A_97] {strides = array<i32>} : memref<4x10000xf32, #tpu.memory_space<vmem>>, vector<16xf32>,
      tpu.vector_store %arg9[%swap3A_96, %swap3A_97], %broadcast_in_dim3A_92 {strides = array<i32>} : memref<4x10000xf32, #tpu.memory_space<vmem>>, vector<16xf32>,
      %mul3A_99 = arith.constant 16 : i32
      %mul3A_100 = arith.muli %while3A_89, %mul3A_99 : i32
      %swap3A_101 = arith.constant 1 : i32
      %swap3A_102 = arith.index_cast %swap3A_101 : i32 to index
      %swap3A_103 = arith.index_cast %mul3A_100 : i32 to index
      %swap3A_104 = tpu.vector_load %arg9[%swap3A_102, %swap3A_103] {strides = array<i32>} : memref<4x10000xf32, #tpu.memory_space<vmem>>, vector<16xf32>,
      tpu.vector_store %arg9[%swap3A_102, %swap3A_103], %broadcast_in_dim3A_92 {strides = array<i32>} : memref<4x10000xf32, #tpu.memory_space<vmem>>, vector<16xf32>,
      %mul3A_105 = arith.constant 16 : i32
      %mul3A_106 = arith.muli %while3A_89, %mul3A_105 : i32
      %swap3A_107 = arith.constant 2 : i32
      %swap3A_108 = arith.index_cast %swap3A_107 : i32 to index
      %swap3A_109 = arith.index_cast %mul3A_106 : i32 to index
      %swap3A_110 = tpu.vector_load %arg9[%swap3A_108, %swap3A_109] {strides = array<i32>} : memref<4x10000xf32, #tpu.memory_space<vmem>>, vector<16xf32>,
      tpu.vector_store %arg9[%swap3A_108, %swap3A_109], %broadcast_in_dim3A_92 {strides = array<i32>} : memref<4x10000xf32, #tpu.memory_space<vmem>>, vector<16xf32>,
      %mul3A_111 = arith.constant 16 : i32
      %mul3A_112 = arith.muli %while3A_89, %mul3A_111 : i32
      %swap3A_113 = arith.constant 3 : i32
      %swap3A_114 = arith.index_cast %swap3A_113 : i32 to index
      %swap3A_115 = arith.index_cast %mul3A_112 : i32 to index
      %swap3A_116 = tpu.vector_load %arg9[%swap3A_114, %swap3A_115] {strides = array<i32>} : memref<4x10000xf32, #tpu.memory_space<vmem>>, vector<16xf32>,
      tpu.vector_store %arg9[%swap3A_114, %swap3A_115], %broadcast_in_dim3A_92 {strides = array<i32>} : memref<4x10000xf32, #tpu.memory_space<vmem>>, vector<16xf32>,
      %while3A_117 = arith.constant 0 : i64
      scf.yield %while3A_117 : i64
    }
    %iota3A = tpu.iota {dimensions = array<i32: 0>} : vector<16xi32>
    %lt3A = arith.constant 15 : i32
    %lt3A_15 = vector.broadcast %lt3A : i32 to vector<16xi32>
    %lt3A_16 = arith.cmpi slt, %iota3A, %lt3A_15 : vector<16xi32>
    %add3A_17 = arith.constant 15 : i32
    %add3A_18 = vector.broadcast %add3A_17 : i32 to vector<16xi32>
    %add3A_19 = arith.addi %iota3A, %add3A_18 : vector<16xi32>
    %jit3A = arith.constant 16 : i64
    %convert_element_type3A = arith.trunci %jit3A : i64 to i32
    %eq3A = arith.constant 0 : i32
    %eq3A_20 = arith.cmpi eq, %convert_element_type3A, %eq3A : i32
    %jit3A_21 = arith.constant 1 : i32
    %select_n3A = arith.select %eq3A_20, %jit3A_21, %convert_element_type3A : i32
    %rem3A = vector.broadcast %select_n3A : i32 to vector<16xi32>
    %rem3A_22 = arith.remsi %add3A_19, %rem3A : vector<16xi32>
    %ne3A = arith.constant 0 : i32
    %ne3A_23 = vector.broadcast %ne3A : i32 to vector<16xi32>
    %ne3A_24 = arith.cmpi ne, %rem3A_22, %ne3A_23 : vector<16xi32>
    %lt3A_25 = arith.constant 0 : i32
    %lt3A_26 = vector.broadcast %lt3A_25 : i32 to vector<16xi32>
    %lt3A_27 = arith.cmpi slt, %rem3A_22, %lt3A_26 : vector<16xi32>
    %lt3A_28 = arith.constant 0 : i32
    %lt3A_29 = arith.cmpi slt, %select_n3A, %lt3A_28 : i32
    %ne3A_30 = vector.broadcast %lt3A_29 : i1 to vector<16xi1>
    %ne3A_31 = vector.broadcast %ne3A_30 : vector<16xi1> to vector<16xi1>
    %ne3A_32 = arith.xori %lt3A_27, %ne3A_31 : vector<16xi1>
    %and3A = arith.andi %ne3A_32, %ne3A_24 : vector<16xi1>
    %add3A_33 = vector.broadcast %select_n3A : i32 to vector<16xi32>
    %add3A_34 = arith.addi %rem3A_22, %add3A_33 : vector<16xi32>
    %select_n3A_35 = arith.select %and3A, %add3A_34, %rem3A_22 : vector<16xi1>, vector<16xi32>
    %add3A_36 = arith.constant 1 : i32
    %add3A_37 = vector.broadcast %add3A_36 : i32 to vector<16xi32>
    %add3A_38 = arith.addi %iota3A, %add3A_37 : vector<16xi32>
    %jit3A_39 = arith.constant 16 : i64
    %convert_element_type3A_40 = arith.trunci %jit3A_39 : i64 to i32
    %eq3A_41 = arith.constant 0 : i32
    %eq3A_42 = arith.cmpi eq, %convert_element_type3A_40, %eq3A_41 : i32
    %jit3A_43 = arith.constant 1 : i32
    %select_n3A_44 = arith.select %eq3A_42, %jit3A_43, %convert_element_type3A_40 : i32
    %rem3A_45 = vector.broadcast %select_n3A_44 : i32 to vector<16xi32>
    %rem3A_46 = arith.remsi %add3A_38, %rem3A_45 : vector<16xi32>
    %ne3A_47 = arith.constant 0 : i32
    %ne3A_48 = vector.broadcast %ne3A_47 : i32 to vector<16xi32>
    %ne3A_49 = arith.cmpi ne, %rem3A_46, %ne3A_48 : vector<16xi32>
    %lt3A_50 = arith.constant 0 : i32
    %lt3A_51 = vector.broadcast %lt3A_50 : i32 to vector<16xi32>
    %lt3A_52 = arith.cmpi slt, %rem3A_46, %lt3A_51 : vector<16xi32>
    %lt3A_53 = arith.constant 0 : i32
    %lt3A_54 = arith.cmpi slt, %select_n3A_44, %lt3A_53 : i32
    %ne3A_55 = vector.broadcast %lt3A_54 : i1 to vector<16xi1>
    %ne3A_56 = vector.broadcast %ne3A_55 : vector<16xi1> to vector<16xi1>
    %ne3A_57 = arith.xori %lt3A_52, %ne3A_56 : vector<16xi1>
    %and3A_58 = arith.andi %ne3A_57, %ne3A_49 : vector<16xi1>
    %add3A_59 = vector.broadcast %select_n3A_44 : i32 to vector<16xi32>
    %add3A_60 = arith.addi %rem3A_46, %add3A_59 : vector<16xi32>
    %select_n3A_61 = arith.select %and3A_58, %add3A_60, %rem3A_46 : vector<16xi1>, vector<16xi32>
    %while3A_62 = arith.constant 0 : i32
    %while3A_63 = arith.constant 50 : i32
    %while3A_64 = arith.constant 0 : i64
    %while3A_65 = arith.subi %while3A_63, %while3A_62 : i32
    %while3A_66 = arith.addi %while3A_62, %while3A_65 : i32
    %while3A_67 = arith.constant 1 : i32
    %while3A_68 = arith.divsi %while3A_65, %while3A_67 : i32
    %while3A_69 = arith.muli %while3A_68, %while3A_67 : i32
    %while3A_70 = arith.addi %while3A_62, %while3A_69 : i32
    %while3A_71 = arith.constant 1 : i32
    %while3A_72 = scf.for %while3A_89 = %while3A_62 to %while3A_70 step %while3A_71 iter_args(%while3A_90 = %while3A_64) -> (i64)  : i32 {
      %mul3A_91 = arith.constant 6400 : i32
      %mul3A_92 = arith.muli %while3A_89, %mul3A_91 : i32
      %run_scoped3A = arith.constant 0 : i32
      "tpu.region"() ({
        %run_scoped3A_110 = tpu.sem_alloc : memref<!tpu.dma_semaphore, #tpu.memory_space<semaphore_mem>>
        %dma_start3A = arith.constant 0 : i32
        %dma_start3A_111 = tpu.memref_slice %arg10[%run_scoped3A, %dma_start3A] : memref<2x6400xi32, #tpu.memory_space<vmem>> -> memref<1x6400xi32, #tpu.memory_space<vmem>>
        %dma_start3A_112 = tpu.memref_squeeze %dma_start3A_111 : memref<1x6400xi32, #tpu.memory_space<vmem>> -> memref<6400xi32, #tpu.memory_space<vmem>>
        %dma_start3A_113 = tpu.memref_slice %arg3[%mul3A_92] : memref<320000xi32, #tpu.memory_space<hbm>> -> memref<6400xi32, #tpu.memory_space<hbm>>
        %dma_start3A_114 = arith.constant 0 : i32
        %dma_start3A_115 = tpu.memref_slice %arg10[%run_scoped3A, %dma_start3A_114] : memref<2x6400xi32, #tpu.memory_space<vmem>> -> memref<1x6400xi32, #tpu.memory_space<vmem>>
        %dma_start3A_116 = tpu.memref_squeeze %dma_start3A_115 : memref<1x6400xi32, #tpu.memory_space<vmem>> -> memref<6400xi32, #tpu.memory_space<vmem>>
        %dma_start3A_117 = tpu.memref_slice %arg3[%mul3A_92] : memref<320000xi32, #tpu.memory_space<hbm>> -> memref<6400xi32, #tpu.memory_space<hbm>>
        tpu.enqueue_dma source(%dma_start3A_117 : memref<6400xi32, #tpu.memory_space<hbm>>) target(%dma_start3A_116 : memref<6400xi32, #tpu.memory_space<vmem>>) target_semaphore(%run_scoped3A_110 : memref<!tpu.dma_semaphore, #tpu.memory_space<semaphore_mem>>)
        %dma_wait3A = arith.constant 0 : i32
        %dma_wait3A_118 = tpu.memref_slice %arg10[%run_scoped3A, %dma_wait3A] : memref<2x6400xi32, #tpu.memory_space<vmem>> -> memref<1x6400xi32, #tpu.memory_space<vmem>>
        %dma_wait3A_119 = tpu.memref_squeeze %dma_wait3A_118 : memref<1x6400xi32, #tpu.memory_space<vmem>> -> memref<6400xi32, #tpu.memory_space<vmem>>
        %dma_wait3A_120 = tpu.memref_slice %arg3[%mul3A_92] : memref<320000xi32, #tpu.memory_space<hbm>> -> memref<6400xi32, #tpu.memory_space<hbm>>
        %dma_wait3A_121 = arith.constant 0 : i32
        %dma_wait3A_122 = tpu.memref_slice %arg10[%run_scoped3A, %dma_wait3A_121] : memref<2x6400xi32, #tpu.memory_space<vmem>> -> memref<1x6400xi32, #tpu.memory_space<vmem>>
        %dma_wait3A_123 = tpu.memref_squeeze %dma_wait3A_122 : memref<1x6400xi32, #tpu.memory_space<vmem>> -> memref<6400xi32, #tpu.memory_space<vmem>>
        %dma_wait3A_124 = tpu.memref_slice %arg3[%mul3A_92] : memref<320000xi32, #tpu.memory_space<hbm>> -> memref<6400xi32, #tpu.memory_space<hbm>>
        tpu.wait_dma2 semaphore(%run_scoped3A_110 : memref<!tpu.dma_semaphore, #tpu.memory_space<semaphore_mem>>) src(%dma_wait3A_124 : memref<6400xi32, #tpu.memory_space<hbm>>) dst(%dma_wait3A_123 : memref<6400xi32, #tpu.memory_space<vmem>>)
        tpu.yield
      }) : () -> ()
      %run_scoped3A_93 = arith.constant 0 : i32
      "tpu.region"() ({
        %run_scoped3A_110 = tpu.sem_alloc : memref<!tpu.dma_semaphore, #tpu.memory_space<semaphore_mem>>
        %dma_start3A = arith.constant 0 : i32
        %dma_start3A_111 = tpu.memref_slice %arg11[%run_scoped3A_93, %dma_start3A] : memref<2x6416xi32, #tpu.memory_space<vmem>> -> memref<1x6400xi32, #tpu.memory_space<vmem>>
        %dma_start3A_112 = tpu.memref_squeeze %dma_start3A_111 : memref<1x6400xi32, #tpu.memory_space<vmem>> -> memref<6400xi32, #tpu.memory_space<vmem>>
        %dma_start3A_113 = tpu.memref_slice %arg4[%mul3A_92] : memref<320000xi32, #tpu.memory_space<hbm>> -> memref<6400xi32, #tpu.memory_space<hbm>>
        %dma_start3A_114 = arith.constant 0 : i32
        %dma_start3A_115 = tpu.memref_slice %arg11[%run_scoped3A_93, %dma_start3A_114] : memref<2x6416xi32, #tpu.memory_space<vmem>> -> memref<1x6400xi32, #tpu.memory_space<vmem>>
        %dma_start3A_116 = tpu.memref_squeeze %dma_start3A_115 : memref<1x6400xi32, #tpu.memory_space<vmem>> -> memref<6400xi32, #tpu.memory_space<vmem>>
        %dma_start3A_117 = tpu.memref_slice %arg4[%mul3A_92] : memref<320000xi32, #tpu.memory_space<hbm>> -> memref<6400xi32, #tpu.memory_space<hbm>>
        tpu.enqueue_dma source(%dma_start3A_117 : memref<6400xi32, #tpu.memory_space<hbm>>) target(%dma_start3A_116 : memref<6400xi32, #tpu.memory_space<vmem>>) target_semaphore(%run_scoped3A_110 : memref<!tpu.dma_semaphore, #tpu.memory_space<semaphore_mem>>)
        %dma_wait3A = arith.constant 0 : i32
        %dma_wait3A_118 = tpu.memref_slice %arg11[%run_scoped3A_93, %dma_wait3A] : memref<2x6416xi32, #tpu.memory_space<vmem>> -> memref<1x6400xi32, #tpu.memory_space<vmem>>
        %dma_wait3A_119 = tpu.memref_squeeze %dma_wait3A_118 : memref<1x6400xi32, #tpu.memory_space<vmem>> -> memref<6400xi32, #tpu.memory_space<vmem>>
        %dma_wait3A_120 = tpu.memref_slice %arg4[%mul3A_92] : memref<320000xi32, #tpu.memory_space<hbm>> -> memref<6400xi32, #tpu.memory_space<hbm>>
        %dma_wait3A_121 = arith.constant 0 : i32
        %dma_wait3A_122 = tpu.memref_slice %arg11[%run_scoped3A_93, %dma_wait3A_121] : memref<2x6416xi32, #tpu.memory_space<vmem>> -> memref<1x6400xi32, #tpu.memory_space<vmem>>
        %dma_wait3A_123 = tpu.memref_squeeze %dma_wait3A_122 : memref<1x6400xi32, #tpu.memory_space<vmem>> -> memref<6400xi32, #tpu.memory_space<vmem>>
        %dma_wait3A_124 = tpu.memref_slice %arg4[%mul3A_92] : memref<320000xi32, #tpu.memory_space<hbm>> -> memref<6400xi32, #tpu.memory_space<hbm>>
        tpu.wait_dma2 semaphore(%run_scoped3A_110 : memref<!tpu.dma_semaphore, #tpu.memory_space<semaphore_mem>>) src(%dma_wait3A_124 : memref<6400xi32, #tpu.memory_space<hbm>>) dst(%dma_wait3A_123 : memref<6400xi32, #tpu.memory_space<vmem>>)
        tpu.yield
      }) : () -> ()
      %run_scoped3A_94 = arith.constant 0 : i32
      "tpu.region"() ({
        %run_scoped3A_110 = tpu.sem_alloc : memref<!tpu.dma_semaphore, #tpu.memory_space<semaphore_mem>>
        %dma_start3A = arith.constant 0 : i32
        %dma_start3A_111 = tpu.memref_slice %arg12[%run_scoped3A_94, %dma_start3A] : memref<2x6400xf32, #tpu.memory_space<vmem>> -> memref<1x6400xf32, #tpu.memory_space<vmem>>
        %dma_start3A_112 = tpu.memref_squeeze %dma_start3A_111 : memref<1x6400xf32, #tpu.memory_space<vmem>> -> memref<6400xf32, #tpu.memory_space<vmem>>
        %dma_start3A_113 = tpu.memref_slice %arg5[%mul3A_92] : memref<320000xf32, #tpu.memory_space<hbm>> -> memref<6400xf32, #tpu.memory_space<hbm>>
        %dma_start3A_114 = arith.constant 0 : i32
        %dma_start3A_115 = tpu.memref_slice %arg12[%run_scoped3A_94, %dma_start3A_114] : memref<2x6400xf32, #tpu.memory_space<vmem>> -> memref<1x6400xf32, #tpu.memory_space<vmem>>
        %dma_start3A_116 = tpu.memref_squeeze %dma_start3A_115 : memref<1x6400xf32, #tpu.memory_space<vmem>> -> memref<6400xf32, #tpu.memory_space<vmem>>
        %dma_start3A_117 = tpu.memref_slice %arg5[%mul3A_92] : memref<320000xf32, #tpu.memory_space<hbm>> -> memref<6400xf32, #tpu.memory_space<hbm>>
        tpu.enqueue_dma source(%dma_start3A_117 : memref<6400xf32, #tpu.memory_space<hbm>>) target(%dma_start3A_116 : memref<6400xf32, #tpu.memory_space<vmem>>) target_semaphore(%run_scoped3A_110 : memref<!tpu.dma_semaphore, #tpu.memory_space<semaphore_mem>>)
        %dma_wait3A = arith.constant 0 : i32
        %dma_wait3A_118 = tpu.memref_slice %arg12[%run_scoped3A_94, %dma_wait3A] : memref<2x6400xf32, #tpu.memory_space<vmem>> -> memref<1x6400xf32, #tpu.memory_space<vmem>>
        %dma_wait3A_119 = tpu.memref_squeeze %dma_wait3A_118 : memref<1x6400xf32, #tpu.memory_space<vmem>> -> memref<6400xf32, #tpu.memory_space<vmem>>
        %dma_wait3A_120 = tpu.memref_slice %arg5[%mul3A_92] : memref<320000xf32, #tpu.memory_space<hbm>> -> memref<6400xf32, #tpu.memory_space<hbm>>
        %dma_wait3A_121 = arith.constant 0 : i32
        %dma_wait3A_122 = tpu.memref_slice %arg12[%run_scoped3A_94, %dma_wait3A_121] : memref<2x6400xf32, #tpu.memory_space<vmem>> -> memref<1x6400xf32, #tpu.memory_space<vmem>>
        %dma_wait3A_123 = tpu.memref_squeeze %dma_wait3A_122 : memref<1x6400xf32, #tpu.memory_space<vmem>> -> memref<6400xf32, #tpu.memory_space<vmem>>
        %dma_wait3A_124 = tpu.memref_slice %arg5[%mul3A_92] : memref<320000xf32, #tpu.memory_space<hbm>> -> memref<6400xf32, #tpu.memory_space<hbm>>
        tpu.wait_dma2 semaphore(%run_scoped3A_110 : memref<!tpu.dma_semaphore, #tpu.memory_space<semaphore_mem>>) src(%dma_wait3A_124 : memref<6400xf32, #tpu.memory_space<hbm>>) dst(%dma_wait3A_123 : memref<6400xf32, #tpu.memory_space<vmem>>)
        tpu.yield
      }) : () -> ()
      %while3A_95 = arith.constant 0 : i32
      %while3A_96 = arith.constant 0 : i32
      %while3A_97 = arith.constant 400 : i32
      %while3A_98 = arith.constant 0 : i64
      %while3A_99 = arith.subi %while3A_97, %while3A_96 : i32
      %while3A_100 = arith.addi %while3A_96, %while3A_99 : i32
      %while3A_101 = arith.constant 1 : i32
      %while3A_102 = arith.divsi %while3A_99, %while3A_101 : i32
      %while3A_103 = arith.muli %while3A_102, %while3A_101 : i32
      %while3A_104 = arith.addi %while3A_96, %while3A_103 : i32
      %while3A_105 = arith.constant 1 : i32
      %while3A_106 = scf.for %while3A_110 = %while3A_96 to %while3A_104 step %while3A_105 iter_args(%while3A_111 = %while3A_98) -> (i64)  : i32 {
        %mul3A_112 = arith.constant 16 : i32
        %mul3A_113 = arith.muli %while3A_110, %mul3A_112 : i32
        %get3A = arith.index_cast %while3A_95 : i32 to index
        %get3A_114 = arith.index_cast %mul3A_113 : i32 to index
        %get3A_115 = tpu.vector_load %arg10[%get3A, %get3A_114] {strides = array<i32>} : memref<2x6400xi32, #tpu.memory_space<vmem>>, vector<16xi32>,
        %get3A_116 = arith.index_cast %while3A_95 : i32 to index
        %get3A_117 = arith.index_cast %mul3A_113 : i32 to index
        %get3A_118 = tpu.vector_load %arg11[%get3A_116, %get3A_117] {strides = array<i32>} : memref<2x6416xi32, #tpu.memory_space<vmem>>, vector<16xi32>,
        %get3A_119 = arith.index_cast %while3A_95 : i32 to index
        %get3A_120 = arith.index_cast %mul3A_113 : i32 to index
        %get3A_121 = tpu.vector_load %arg12[%get3A_119, %get3A_120] {strides = array<i32>} : memref<2x6400xf32, #tpu.memory_space<vmem>>, vector<16xf32>,
        %broadcast_in_dim3A_122 = arith.constant 0 : i32
        %broadcast_in_dim3A_123 = vector.broadcast %broadcast_in_dim3A_122 : i32 to vector<16xi32>
        %gather3A = tpu.vector_load_idx %arg8[%broadcast_in_dim3A_123, %get3A_115] : memref<4x10000xf32, #tpu.memory_space<vmem>>[vector<16xi32>, vector<16xi32>], vector<16xf32>,
        %mul3A_124 = arith.mulf %gather3A, %get3A_121 : vector<16xf32>
        tpu.vector_store_idx %arg9[%broadcast_in_dim3A_123, %get3A_118], %mul3A_124 {add = true} : memref<4x10000xf32, #tpu.memory_space<vmem>>[vector<16xi32>, vector<16xi32>], vector<16xf32>,
        %broadcast_in_dim3A_125 = arith.constant 1 : i32
        %broadcast_in_dim3A_126 = vector.broadcast %broadcast_in_dim3A_125 : i32 to vector<16xi32>
        %gather3A_127 = tpu.vector_load_idx %arg8[%broadcast_in_dim3A_126, %get3A_115] : memref<4x10000xf32, #tpu.memory_space<vmem>>[vector<16xi32>, vector<16xi32>], vector<16xf32>,
        %mul3A_128 = arith.mulf %gather3A_127, %get3A_121 : vector<16xf32>
        tpu.vector_store_idx %arg9[%broadcast_in_dim3A_126, %get3A_118], %mul3A_128 {add = true} : memref<4x10000xf32, #tpu.memory_space<vmem>>[vector<16xi32>, vector<16xi32>], vector<16xf32>,
        %broadcast_in_dim3A_129 = arith.constant 2 : i32
        %broadcast_in_dim3A_130 = vector.broadcast %broadcast_in_dim3A_129 : i32 to vector<16xi32>
        %gather3A_131 = tpu.vector_load_idx %arg8[%broadcast_in_dim3A_130, %get3A_115] : memref<4x10000xf32, #tpu.memory_space<vmem>>[vector<16xi32>, vector<16xi32>], vector<16xf32>,
        %mul3A_132 = arith.mulf %gather3A_131, %get3A_121 : vector<16xf32>
        tpu.vector_store_idx %arg9[%broadcast_in_dim3A_130, %get3A_118], %mul3A_132 {add = true} : memref<4x10000xf32, #tpu.memory_space<vmem>>[vector<16xi32>, vector<16xi32>], vector<16xf32>,
        %broadcast_in_dim3A_133 = arith.constant 3 : i32
        %broadcast_in_dim3A_134 = vector.broadcast %broadcast_in_dim3A_133 : i32 to vector<16xi32>
        %gather3A_135 = tpu.vector_load_idx %arg8[%broadcast_in_dim3A_134, %get3A_115] : memref<4x10000xf32, #tpu.memory_space<vmem>>[vector<16xi32>, vector<16xi32>], vector<16xf32>,
        %mul3A_136 = arith.mulf %gather3A_135, %get3A_121 : vector<16xf32>
        tpu.vector_store_idx %arg9[%broadcast_in_dim3A_134, %get3A_118], %mul3A_136 {add = true} : memref<4x10000xf32, #tpu.memory_space<vmem>>[vector<16xi32>, vector<16xi32>], vector<16xf32>,
        %while3A_137 = arith.constant 0 : i64
        scf.yield %while3A_137 : i64
      }
      %while3A_107 = arith.constant 1 : i32
      %while3A_108 = scf.for %while3A_110 = %while3A_104 to %while3A_100 step %while3A_107 iter_args(%while3A_111 = %while3A_106) -> (i64)  : i32 {
        %mul3A_112 = arith.constant 16 : i32
        %mul3A_113 = arith.muli %while3A_110, %mul3A_112 : i32
        %get3A = arith.index_cast %while3A_95 : i32 to index
        %get3A_114 = arith.index_cast %mul3A_113 : i32 to index
        %get3A_115 = tpu.vector_load %arg10[%get3A, %get3A_114] {strides = array<i32>} : memref<2x6400xi32, #tpu.memory_space<vmem>>, vector<16xi32>,
        %get3A_116 = arith.index_cast %while3A_95 : i32 to index
        %get3A_117 = arith.index_cast %mul3A_113 : i32 to index
        %get3A_118 = tpu.vector_load %arg11[%get3A_116, %get3A_117] {strides = array<i32>} : memref<2x6416xi32, #tpu.memory_space<vmem>>, vector<16xi32>,
        %get3A_119 = arith.index_cast %while3A_95 : i32 to index
        %get3A_120 = arith.index_cast %mul3A_113 : i32 to index
        %get3A_121 = tpu.vector_load %arg12[%get3A_119, %get3A_120] {strides = array<i32>} : memref<2x6400xf32, #tpu.memory_space<vmem>>, vector<16xf32>,
        %broadcast_in_dim3A_122 = arith.constant 0 : i32
        %broadcast_in_dim3A_123 = vector.broadcast %broadcast_in_dim3A_122 : i32 to vector<16xi32>
        %gather3A = tpu.vector_load_idx %arg8[%broadcast_in_dim3A_123, %get3A_115] : memref<4x10000xf32, #tpu.memory_space<vmem>>[vector<16xi32>, vector<16xi32>], vector<16xf32>,
        %mul3A_124 = arith.mulf %gather3A, %get3A_121 : vector<16xf32>
        tpu.vector_store_idx %arg9[%broadcast_in_dim3A_123, %get3A_118], %mul3A_124 {add = true} : memref<4x10000xf32, #tpu.memory_space<vmem>>[vector<16xi32>, vector<16xi32>], vector<16xf32>,
        %broadcast_in_dim3A_125 = arith.constant 1 : i32
        %broadcast_in_dim3A_126 = vector.broadcast %broadcast_in_dim3A_125 : i32 to vector<16xi32>
        %gather3A_127 = tpu.vector_load_idx %arg8[%broadcast_in_dim3A_126, %get3A_115] : memref<4x10000xf32, #tpu.memory_space<vmem>>[vector<16xi32>, vector<16xi32>], vector<16xf32>,
        %mul3A_128 = arith.mulf %gather3A_127, %get3A_121 : vector<16xf32>
        tpu.vector_store_idx %arg9[%broadcast_in_dim3A_126, %get3A_118], %mul3A_128 {add = true} : memref<4x10000xf32, #tpu.memory_space<vmem>>[vector<16xi32>, vector<16xi32>], vector<16xf32>,
        %broadcast_in_dim3A_129 = arith.constant 2 : i32
        %broadcast_in_dim3A_130 = vector.broadcast %broadcast_in_dim3A_129 : i32 to vector<16xi32>
        %gather3A_131 = tpu.vector_load_idx %arg8[%broadcast_in_dim3A_130, %get3A_115] : memref<4x10000xf32, #tpu.memory_space<vmem>>[vector<16xi32>, vector<16xi32>], vector<16xf32>,
        %mul3A_132 = arith.mulf %gather3A_131, %get3A_121 : vector<16xf32>
        tpu.vector_store_idx %arg9[%broadcast_in_dim3A_130, %get3A_118], %mul3A_132 {add = true} : memref<4x10000xf32, #tpu.memory_space<vmem>>[vector<16xi32>, vector<16xi32>], vector<16xf32>,
        %broadcast_in_dim3A_133 = arith.constant 3 : i32
        %broadcast_in_dim3A_134 = vector.broadcast %broadcast_in_dim3A_133 : i32 to vector<16xi32>
        %gather3A_135 = tpu.vector_load_idx %arg8[%broadcast_in_dim3A_134, %get3A_115] : memref<4x10000xf32, #tpu.memory_space<vmem>>[vector<16xi32>, vector<16xi32>], vector<16xf32>,
        %mul3A_136 = arith.mulf %gather3A_135, %get3A_121 : vector<16xf32>
        tpu.vector_store_idx %arg9[%broadcast_in_dim3A_134, %get3A_118], %mul3A_136 {add = true} : memref<4x10000xf32, #tpu.memory_space<vmem>>[vector<16xi32>, vector<16xi32>], vector<16xf32>,
        %while3A_137 = arith.constant 0 : i64
        scf.yield %while3A_137 : i64
      }
      %while3A_109 = arith.constant 0 : i64
      scf.yield %while3A_109 : i64
    }
    %while3A_73 = arith.constant 1 : i32
    %while3A_74 = scf.for %while3A_89 = %while3A_70 to %while3A_66 step %while3A_73 iter_args(%while3A_90 = %while3A_72) -> (i64)  : i32 {
      %mul3A_91 = arith.constant 6400 : i32
      %mul3A_92 = arith.muli %while3A_89, %mul3A_91 : i32
      %run_scoped3A = arith.constant 0 : i32
      "tpu.region"() ({
        %run_scoped3A_110 = tpu.sem_alloc : memref<!tpu.dma_semaphore, #tpu.memory_space<semaphore_mem>>
        %dma_start3A = arith.constant 0 : i32
        %dma_start3A_111 = tpu.memref_slice %arg10[%run_scoped3A, %dma_start3A] : memref<2x6400xi32, #tpu.memory_space<vmem>> -> memref<1x6400xi32, #tpu.memory_space<vmem>>
        %dma_start3A_112 = tpu.memref_squeeze %dma_start3A_111 : memref<1x6400xi32, #tpu.memory_space<vmem>> -> memref<6400xi32, #tpu.memory_space<vmem>>
        %dma_start3A_113 = tpu.memref_slice %arg3[%mul3A_92] : memref<320000xi32, #tpu.memory_space<hbm>> -> memref<6400xi32, #tpu.memory_space<hbm>>
        %dma_start3A_114 = arith.constant 0 : i32
        %dma_start3A_115 = tpu.memref_slice %arg10[%run_scoped3A, %dma_start3A_114] : memref<2x6400xi32, #tpu.memory_space<vmem>> -> memref<1x6400xi32, #tpu.memory_space<vmem>>
        %dma_start3A_116 = tpu.memref_squeeze %dma_start3A_115 : memref<1x6400xi32, #tpu.memory_space<vmem>> -> memref<6400xi32, #tpu.memory_space<vmem>>
        %dma_start3A_117 = tpu.memref_slice %arg3[%mul3A_92] : memref<320000xi32, #tpu.memory_space<hbm>> -> memref<6400xi32, #tpu.memory_space<hbm>>
        tpu.enqueue_dma source(%dma_start3A_117 : memref<6400xi32, #tpu.memory_space<hbm>>) target(%dma_start3A_116 : memref<6400xi32, #tpu.memory_space<vmem>>) target_semaphore(%run_scoped3A_110 : memref<!tpu.dma_semaphore, #tpu.memory_space<semaphore_mem>>)
        %dma_wait3A = arith.constant 0 : i32
        %dma_wait3A_118 = tpu.memref_slice %arg10[%run_scoped3A, %dma_wait3A] : memref<2x6400xi32, #tpu.memory_space<vmem>> -> memref<1x6400xi32, #tpu.memory_space<vmem>>
        %dma_wait3A_119 = tpu.memref_squeeze %dma_wait3A_118 : memref<1x6400xi32, #tpu.memory_space<vmem>> -> memref<6400xi32, #tpu.memory_space<vmem>>
        %dma_wait3A_120 = tpu.memref_slice %arg3[%mul3A_92] : memref<320000xi32, #tpu.memory_space<hbm>> -> memref<6400xi32, #tpu.memory_space<hbm>>
        %dma_wait3A_121 = arith.constant 0 : i32
        %dma_wait3A_122 = tpu.memref_slice %arg10[%run_scoped3A, %dma_wait3A_121] : memref<2x6400xi32, #tpu.memory_space<vmem>> -> memref<1x6400xi32, #tpu.memory_space<vmem>>
        %dma_wait3A_123 = tpu.memref_squeeze %dma_wait3A_122 : memref<1x6400xi32, #tpu.memory_space<vmem>> -> memref<6400xi32, #tpu.memory_space<vmem>>
        %dma_wait3A_124 = tpu.memref_slice %arg3[%mul3A_92] : memref<320000xi32, #tpu.memory_space<hbm>> -> memref<6400xi32, #tpu.memory_space<hbm>>
        tpu.wait_dma2 semaphore(%run_scoped3A_110 : memref<!tpu.dma_semaphore, #tpu.memory_space<semaphore_mem>>) src(%dma_wait3A_124 : memref<6400xi32, #tpu.memory_space<hbm>>) dst(%dma_wait3A_123 : memref<6400xi32, #tpu.memory_space<vmem>>)
        tpu.yield
      }) : () -> ()
      %run_scoped3A_93 = arith.constant 0 : i32
      "tpu.region"() ({
        %run_scoped3A_110 = tpu.sem_alloc : memref<!tpu.dma_semaphore, #tpu.memory_space<semaphore_mem>>
        %dma_start3A = arith.constant 0 : i32
        %dma_start3A_111 = tpu.memref_slice %arg11[%run_scoped3A_93, %dma_start3A] : memref<2x6416xi32, #tpu.memory_space<vmem>> -> memref<1x6400xi32, #tpu.memory_space<vmem>>
        %dma_start3A_112 = tpu.memref_squeeze %dma_start3A_111 : memref<1x6400xi32, #tpu.memory_space<vmem>> -> memref<6400xi32, #tpu.memory_space<vmem>>
        %dma_start3A_113 = tpu.memref_slice %arg4[%mul3A_92] : memref<320000xi32, #tpu.memory_space<hbm>> -> memref<6400xi32, #tpu.memory_space<hbm>>
        %dma_start3A_114 = arith.constant 0 : i32
        %dma_start3A_115 = tpu.memref_slice %arg11[%run_scoped3A_93, %dma_start3A_114] : memref<2x6416xi32, #tpu.memory_space<vmem>> -> memref<1x6400xi32, #tpu.memory_space<vmem>>
        %dma_start3A_116 = tpu.memref_squeeze %dma_start3A_115 : memref<1x6400xi32, #tpu.memory_space<vmem>> -> memref<6400xi32, #tpu.memory_space<vmem>>
        %dma_start3A_117 = tpu.memref_slice %arg4[%mul3A_92] : memref<320000xi32, #tpu.memory_space<hbm>> -> memref<6400xi32, #tpu.memory_space<hbm>>
        tpu.enqueue_dma source(%dma_start3A_117 : memref<6400xi32, #tpu.memory_space<hbm>>) target(%dma_start3A_116 : memref<6400xi32, #tpu.memory_space<vmem>>) target_semaphore(%run_scoped3A_110 : memref<!tpu.dma_semaphore, #tpu.memory_space<semaphore_mem>>)
        %dma_wait3A = arith.constant 0 : i32
        %dma_wait3A_118 = tpu.memref_slice %arg11[%run_scoped3A_93, %dma_wait3A] : memref<2x6416xi32, #tpu.memory_space<vmem>> -> memref<1x6400xi32, #tpu.memory_space<vmem>>
        %dma_wait3A_119 = tpu.memref_squeeze %dma_wait3A_118 : memref<1x6400xi32, #tpu.memory_space<vmem>> -> memref<6400xi32, #tpu.memory_space<vmem>>
        %dma_wait3A_120 = tpu.memref_slice %arg4[%mul3A_92] : memref<320000xi32, #tpu.memory_space<hbm>> -> memref<6400xi32, #tpu.memory_space<hbm>>
        %dma_wait3A_121 = arith.constant 0 : i32
        %dma_wait3A_122 = tpu.memref_slice %arg11[%run_scoped3A_93, %dma_wait3A_121] : memref<2x6416xi32, #tpu.memory_space<vmem>> -> memref<1x6400xi32, #tpu.memory_space<vmem>>
        %dma_wait3A_123 = tpu.memref_squeeze %dma_wait3A_122 : memref<1x6400xi32, #tpu.memory_space<vmem>> -> memref<6400xi32, #tpu.memory_space<vmem>>
        %dma_wait3A_124 = tpu.memref_slice %arg4[%mul3A_92] : memref<320000xi32, #tpu.memory_space<hbm>> -> memref<6400xi32, #tpu.memory_space<hbm>>
        tpu.wait_dma2 semaphore(%run_scoped3A_110 : memref<!tpu.dma_semaphore, #tpu.memory_space<semaphore_mem>>) src(%dma_wait3A_124 : memref<6400xi32, #tpu.memory_space<hbm>>) dst(%dma_wait3A_123 : memref<6400xi32, #tpu.memory_space<vmem>>)
        tpu.yield
      }) : () -> ()
      %run_scoped3A_94 = arith.constant 0 : i32
      "tpu.region"() ({
        %run_scoped3A_110 = tpu.sem_alloc : memref<!tpu.dma_semaphore, #tpu.memory_space<semaphore_mem>>
        %dma_start3A = arith.constant 0 : i32
        %dma_start3A_111 = tpu.memref_slice %arg12[%run_scoped3A_94, %dma_start3A] : memref<2x6400xf32, #tpu.memory_space<vmem>> -> memref<1x6400xf32, #tpu.memory_space<vmem>>
        %dma_start3A_112 = tpu.memref_squeeze %dma_start3A_111 : memref<1x6400xf32, #tpu.memory_space<vmem>> -> memref<6400xf32, #tpu.memory_space<vmem>>
        %dma_start3A_113 = tpu.memref_slice %arg5[%mul3A_92] : memref<320000xf32, #tpu.memory_space<hbm>> -> memref<6400xf32, #tpu.memory_space<hbm>>
        %dma_start3A_114 = arith.constant 0 : i32
        %dma_start3A_115 = tpu.memref_slice %arg12[%run_scoped3A_94, %dma_start3A_114] : memref<2x6400xf32, #tpu.memory_space<vmem>> -> memref<1x6400xf32, #tpu.memory_space<vmem>>
        %dma_start3A_116 = tpu.memref_squeeze %dma_start3A_115 : memref<1x6400xf32, #tpu.memory_space<vmem>> -> memref<6400xf32, #tpu.memory_space<vmem>>
        %dma_start3A_117 = tpu.memref_slice %arg5[%mul3A_92] : memref<320000xf32, #tpu.memory_space<hbm>> -> memref<6400xf32, #tpu.memory_space<hbm>>
        tpu.enqueue_dma source(%dma_start3A_117 : memref<6400xf32, #tpu.memory_space<hbm>>) target(%dma_start3A_116 : memref<6400xf32, #tpu.memory_space<vmem>>) target_semaphore(%run_scoped3A_110 : memref<!tpu.dma_semaphore, #tpu.memory_space<semaphore_mem>>)
        %dma_wait3A = arith.constant 0 : i32
        %dma_wait3A_118 = tpu.memref_slice %arg12[%run_scoped3A_94, %dma_wait3A] : memref<2x6400xf32, #tpu.memory_space<vmem>> -> memref<1x6400xf32, #tpu.memory_space<vmem>>
        %dma_wait3A_119 = tpu.memref_squeeze %dma_wait3A_118 : memref<1x6400xf32, #tpu.memory_space<vmem>> -> memref<6400xf32, #tpu.memory_space<vmem>>
        %dma_wait3A_120 = tpu.memref_slice %arg5[%mul3A_92] : memref<320000xf32, #tpu.memory_space<hbm>> -> memref<6400xf32, #tpu.memory_space<hbm>>
        %dma_wait3A_121 = arith.constant 0 : i32
        %dma_wait3A_122 = tpu.memref_slice %arg12[%run_scoped3A_94, %dma_wait3A_121] : memref<2x6400xf32, #tpu.memory_space<vmem>> -> memref<1x6400xf32, #tpu.memory_space<vmem>>
        %dma_wait3A_123 = tpu.memref_squeeze %dma_wait3A_122 : memref<1x6400xf32, #tpu.memory_space<vmem>> -> memref<6400xf32, #tpu.memory_space<vmem>>
        %dma_wait3A_124 = tpu.memref_slice %arg5[%mul3A_92] : memref<320000xf32, #tpu.memory_space<hbm>> -> memref<6400xf32, #tpu.memory_space<hbm>>
        tpu.wait_dma2 semaphore(%run_scoped3A_110 : memref<!tpu.dma_semaphore, #tpu.memory_space<semaphore_mem>>) src(%dma_wait3A_124 : memref<6400xf32, #tpu.memory_space<hbm>>) dst(%dma_wait3A_123 : memref<6400xf32, #tpu.memory_space<vmem>>)
        tpu.yield
      }) : () -> ()
      %while3A_95 = arith.constant 0 : i32
      %while3A_96 = arith.constant 0 : i32
      %while3A_97 = arith.constant 400 : i32
      %while3A_98 = arith.constant 0 : i64
      %while3A_99 = arith.subi %while3A_97, %while3A_96 : i32
      %while3A_100 = arith.addi %while3A_96, %while3A_99 : i32
      %while3A_101 = arith.constant 1 : i32
      %while3A_102 = arith.divsi %while3A_99, %while3A_101 : i32
      %while3A_103 = arith.muli %while3A_102, %while3A_101 : i32
      %while3A_104 = arith.addi %while3A_96, %while3A_103 : i32
      %while3A_105 = arith.constant 1 : i32
      %while3A_106 = scf.for %while3A_110 = %while3A_96 to %while3A_104 step %while3A_105 iter_args(%while3A_111 = %while3A_98) -> (i64)  : i32 {
        %mul3A_112 = arith.constant 16 : i32
        %mul3A_113 = arith.muli %while3A_110, %mul3A_112 : i32
        %get3A = arith.index_cast %while3A_95 : i32 to index
        %get3A_114 = arith.index_cast %mul3A_113 : i32 to index
        %get3A_115 = tpu.vector_load %arg10[%get3A, %get3A_114] {strides = array<i32>} : memref<2x6400xi32, #tpu.memory_space<vmem>>, vector<16xi32>,
        %get3A_116 = arith.index_cast %while3A_95 : i32 to index
        %get3A_117 = arith.index_cast %mul3A_113 : i32 to index
        %get3A_118 = tpu.vector_load %arg11[%get3A_116, %get3A_117] {strides = array<i32>} : memref<2x6416xi32, #tpu.memory_space<vmem>>, vector<16xi32>,
        %get3A_119 = arith.index_cast %while3A_95 : i32 to index
        %get3A_120 = arith.index_cast %mul3A_113 : i32 to index
        %get3A_121 = tpu.vector_load %arg12[%get3A_119, %get3A_120] {strides = array<i32>} : memref<2x6400xf32, #tpu.memory_space<vmem>>, vector<16xf32>,
        %broadcast_in_dim3A_122 = arith.constant 0 : i32
        %broadcast_in_dim3A_123 = vector.broadcast %broadcast_in_dim3A_122 : i32 to vector<16xi32>
        %gather3A = tpu.vector_load_idx %arg8[%broadcast_in_dim3A_123, %get3A_115] : memref<4x10000xf32, #tpu.memory_space<vmem>>[vector<16xi32>, vector<16xi32>], vector<16xf32>,
        %mul3A_124 = arith.mulf %gather3A, %get3A_121 : vector<16xf32>
        tpu.vector_store_idx %arg9[%broadcast_in_dim3A_123, %get3A_118], %mul3A_124 {add = true} : memref<4x10000xf32, #tpu.memory_space<vmem>>[vector<16xi32>, vector<16xi32>], vector<16xf32>,
        %broadcast_in_dim3A_125 = arith.constant 1 : i32
        %broadcast_in_dim3A_126 = vector.broadcast %broadcast_in_dim3A_125 : i32 to vector<16xi32>
        %gather3A_127 = tpu.vector_load_idx %arg8[%broadcast_in_dim3A_126, %get3A_115] : memref<4x10000xf32, #tpu.memory_space<vmem>>[vector<16xi32>, vector<16xi32>], vector<16xf32>,
        %mul3A_128 = arith.mulf %gather3A_127, %get3A_121 : vector<16xf32>
        tpu.vector_store_idx %arg9[%broadcast_in_dim3A_126, %get3A_118], %mul3A_128 {add = true} : memref<4x10000xf32, #tpu.memory_space<vmem>>[vector<16xi32>, vector<16xi32>], vector<16xf32>,
        %broadcast_in_dim3A_129 = arith.constant 2 : i32
        %broadcast_in_dim3A_130 = vector.broadcast %broadcast_in_dim3A_129 : i32 to vector<16xi32>
        %gather3A_131 = tpu.vector_load_idx %arg8[%broadcast_in_dim3A_130, %get3A_115] : memref<4x10000xf32, #tpu.memory_space<vmem>>[vector<16xi32>, vector<16xi32>], vector<16xf32>,
        %mul3A_132 = arith.mulf %gather3A_131, %get3A_121 : vector<16xf32>
        tpu.vector_store_idx %arg9[%broadcast_in_dim3A_130, %get3A_118], %mul3A_132 {add = true} : memref<4x10000xf32, #tpu.memory_space<vmem>>[vector<16xi32>, vector<16xi32>], vector<16xf32>,
        %broadcast_in_dim3A_133 = arith.constant 3 : i32
        %broadcast_in_dim3A_134 = vector.broadcast %broadcast_in_dim3A_133 : i32 to vector<16xi32>
        %gather3A_135 = tpu.vector_load_idx %arg8[%broadcast_in_dim3A_134, %get3A_115] : memref<4x10000xf32, #tpu.memory_space<vmem>>[vector<16xi32>, vector<16xi32>], vector<16xf32>,
        %mul3A_136 = arith.mulf %gather3A_135, %get3A_121 : vector<16xf32>
        tpu.vector_store_idx %arg9[%broadcast_in_dim3A_134, %get3A_118], %mul3A_136 {add = true} : memref<4x10000xf32, #tpu.memory_space<vmem>>[vector<16xi32>, vector<16xi32>], vector<16xf32>,
        %while3A_137 = arith.constant 0 : i64
        scf.yield %while3A_137 : i64
      }
      %while3A_107 = arith.constant 1 : i32
      %while3A_108 = scf.for %while3A_110 = %while3A_104 to %while3A_100 step %while3A_107 iter_args(%while3A_111 = %while3A_106) -> (i64)  : i32 {
        %mul3A_112 = arith.constant 16 : i32
        %mul3A_113 = arith.muli %while3A_110, %mul3A_112 : i32
        %get3A = arith.index_cast %while3A_95 : i32 to index
        %get3A_114 = arith.index_cast %mul3A_113 : i32 to index
        %get3A_115 = tpu.vector_load %arg10[%get3A, %get3A_114] {strides = array<i32>} : memref<2x6400xi32, #tpu.memory_space<vmem>>, vector<16xi32>,
        %get3A_116 = arith.index_cast %while3A_95 : i32 to index
        %get3A_117 = arith.index_cast %mul3A_113 : i32 to index
        %get3A_118 = tpu.vector_load %arg11[%get3A_116, %get3A_117] {strides = array<i32>} : memref<2x6416xi32, #tpu.memory_space<vmem>>, vector<16xi32>,
        %get3A_119 = arith.index_cast %while3A_95 : i32 to index
        %get3A_120 = arith.index_cast %mul3A_113 : i32 to index
        %get3A_121 = tpu.vector_load %arg12[%get3A_119, %get3A_120] {strides = array<i32>} : memref<2x6400xf32, #tpu.memory_space<vmem>>, vector<16xf32>,
        %broadcast_in_dim3A_122 = arith.constant 0 : i32
        %broadcast_in_dim3A_123 = vector.broadcast %broadcast_in_dim3A_122 : i32 to vector<16xi32>
        %gather3A = tpu.vector_load_idx %arg8[%broadcast_in_dim3A_123, %get3A_115] : memref<4x10000xf32, #tpu.memory_space<vmem>>[vector<16xi32>, vector<16xi32>], vector<16xf32>,
        %mul3A_124 = arith.mulf %gather3A, %get3A_121 : vector<16xf32>
        tpu.vector_store_idx %arg9[%broadcast_in_dim3A_123, %get3A_118], %mul3A_124 {add = true} : memref<4x10000xf32, #tpu.memory_space<vmem>>[vector<16xi32>, vector<16xi32>], vector<16xf32>,
        %broadcast_in_dim3A_125 = arith.constant 1 : i32
        %broadcast_in_dim3A_126 = vector.broadcast %broadcast_in_dim3A_125 : i32 to vector<16xi32>
        %gather3A_127 = tpu.vector_load_idx %arg8[%broadcast_in_dim3A_126, %get3A_115] : memref<4x10000xf32, #tpu.memory_space<vmem>>[vector<16xi32>, vector<16xi32>], vector<16xf32>,
        %mul3A_128 = arith.mulf %gather3A_127, %get3A_121 : vector<16xf32>
        tpu.vector_store_idx %arg9[%broadcast_in_dim3A_126, %get3A_118], %mul3A_128 {add = true} : memref<4x10000xf32, #tpu.memory_space<vmem>>[vector<16xi32>, vector<16xi32>], vector<16xf32>,
        %broadcast_in_dim3A_129 = arith.constant 2 : i32
        %broadcast_in_dim3A_130 = vector.broadcast %broadcast_in_dim3A_129 : i32 to vector<16xi32>
        %gather3A_131 = tpu.vector_load_idx %arg8[%broadcast_in_dim3A_130, %get3A_115] : memref<4x10000xf32, #tpu.memory_space<vmem>>[vector<16xi32>, vector<16xi32>], vector<16xf32>,
        %mul3A_132 = arith.mulf %gather3A_131, %get3A_121 : vector<16xf32>
        tpu.vector_store_idx %arg9[%broadcast_in_dim3A_130, %get3A_118], %mul3A_132 {add = true} : memref<4x10000xf32, #tpu.memory_space<vmem>>[vector<16xi32>, vector<16xi32>], vector<16xf32>,
        %broadcast_in_dim3A_133 = arith.constant 3 : i32
        %broadcast_in_dim3A_134 = vector.broadcast %broadcast_in_dim3A_133 : i32 to vector<16xi32>
        %gather3A_135 = tpu.vector_load_idx %arg8[%broadcast_in_dim3A_134, %get3A_115] : memref<4x10000xf32, #tpu.memory_space<vmem>>[vector<16xi32>, vector<16xi32>], vector<16xf32>,
        %mul3A_136 = arith.mulf %gather3A_135, %get3A_121 : vector<16xf32>
        tpu.vector_store_idx %arg9[%broadcast_in_dim3A_134, %get3A_118], %mul3A_136 {add = true} : memref<4x10000xf32, #tpu.memory_space<vmem>>[vector<16xi32>, vector<16xi32>], vector<16xf32>,
        %while3A_137 = arith.constant 0 : i64
        scf.yield %while3A_137 : i64
      }
      %while3A_109 = arith.constant 0 : i64
      scf.yield %while3A_109 : i64
    }
    %broadcast_in_dim3A = arith.constant 0.000000e+00 : f32
    %broadcast_in_dim3A_75 = vector.broadcast %broadcast_in_dim3A : f32 to vector<16xf32>
    %while3A_76 = arith.constant 0 : i32
    %while3A_77 = arith.constant 625 : i32
    %while3A_78 = arith.subi %while3A_77, %while3A_76 : i32
    %while3A_79 = arith.addi %while3A_76, %while3A_78 : i32
    %while3A_80 = arith.constant 1 : i32
    %while3A_81 = arith.divsi %while3A_78, %while3A_80 : i32
    %while3A_82 = arith.muli %while3A_81, %while3A_80 : i32
    %while3A_83 = arith.addi %while3A_76, %while3A_82 : i32
    %while3A_84 = arith.constant 1 : i32
    %while3A_85 = scf.for %while3A_89 = %while3A_76 to %while3A_83 step %while3A_84 iter_args(%while3A_90 = %broadcast_in_dim3A_75) -> (vector<16xf32>)  : i32 {
      %mul3A_91 = arith.constant 16 : i32
      %mul3A_92 = arith.muli %while3A_89, %mul3A_91 : i32
      %get3A = arith.constant 0 : i32
      %get3A_93 = arith.index_cast %get3A : i32 to index
      %get3A_94 = arith.index_cast %mul3A_92 : i32 to index
      %get3A_95 = tpu.vector_load %arg9[%get3A_93, %get3A_94] {strides = array<i32>} : memref<4x10000xf32, #tpu.memory_space<vmem>>, vector<16xf32>,
      %mul3A_96 = arith.mulf %get3A_95, %get3A_95 : vector<16xf32>
      %add3A_97 = arith.addf %while3A_90, %mul3A_96 : vector<16xf32>
      %mul3A_98 = arith.constant 16 : i32
      %mul3A_99 = arith.muli %while3A_89, %mul3A_98 : i32
      %get3A_100 = arith.constant 1 : i32
      %get3A_101 = arith.index_cast %get3A_100 : i32 to index
      %get3A_102 = arith.index_cast %mul3A_99 : i32 to index
      %get3A_103 = tpu.vector_load %arg9[%get3A_101, %get3A_102] {strides = array<i32>} : memref<4x10000xf32, #tpu.memory_space<vmem>>, vector<16xf32>,
      %mul3A_104 = arith.mulf %get3A_103, %get3A_103 : vector<16xf32>
      %add3A_105 = arith.addf %add3A_97, %mul3A_104 : vector<16xf32>
      %mul3A_106 = arith.constant 16 : i32
      %mul3A_107 = arith.muli %while3A_89, %mul3A_106 : i32
      %get3A_108 = arith.constant 2 : i32
      %get3A_109 = arith.index_cast %get3A_108 : i32 to index
      %get3A_110 = arith.index_cast %mul3A_107 : i32 to index
      %get3A_111 = tpu.vector_load %arg9[%get3A_109, %get3A_110] {strides = array<i32>} : memref<4x10000xf32, #tpu.memory_space<vmem>>, vector<16xf32>,
      %mul3A_112 = arith.mulf %get3A_111, %get3A_111 : vector<16xf32>
      %add3A_113 = arith.addf %add3A_105, %mul3A_112 : vector<16xf32>
      %mul3A_114 = arith.constant 16 : i32
      %mul3A_115 = arith.muli %while3A_89, %mul3A_114 : i32
      %get3A_116 = arith.constant 3 : i32
      %get3A_117 = arith.index_cast %get3A_116 : i32 to index
      %get3A_118 = arith.index_cast %mul3A_115 : i32 to index
      %get3A_119 = tpu.vector_load %arg9[%get3A_117, %get3A_118] {strides = array<i32>} : memref<4x10000xf32, #tpu.memory_space<vmem>>, vector<16xf32>,
      %mul3A_120 = arith.mulf %get3A_119, %get3A_119 : vector<16xf32>
      %add3A_121 = arith.addf %add3A_113, %mul3A_120 : vector<16xf32>
      scf.yield %add3A_121 : vector<16xf32>
    }
    %while3A_86 = arith.constant 1 : i32
    %while3A_87 = scf.for %while3A_89 = %while3A_83 to %while3A_79 step %while3A_86 iter_args(%while3A_90 = %while3A_85) -> (vector<16xf32>)  : i32 {
      %mul3A_91 = arith.constant 16 : i32
      %mul3A_92 = arith.muli %while3A_89, %mul3A_91 : i32
      %get3A = arith.constant 0 : i32
      %get3A_93 = arith.index_cast %get3A : i32 to index
      %get3A_94 = arith.index_cast %mul3A_92 : i32 to index
      %get3A_95 = tpu.vector_load %arg9[%get3A_93, %get3A_94] {strides = array<i32>} : memref<4x10000xf32, #tpu.memory_space<vmem>>, vector<16xf32>,
      %mul3A_96 = arith.mulf %get3A_95, %get3A_95 : vector<16xf32>
      %add3A_97 = arith.addf %while3A_90, %mul3A_96 : vector<16xf32>
      %mul3A_98 = arith.constant 16 : i32
      %mul3A_99 = arith.muli %while3A_89, %mul3A_98 : i32
      %get3A_100 = arith.constant 1 : i32
      %get3A_101 = arith.index_cast %get3A_100 : i32 to index
      %get3A_102 = arith.index_cast %mul3A_99 : i32 to index
      %get3A_103 = tpu.vector_load %arg9[%get3A_101, %get3A_102] {strides = array<i32>} : memref<4x10000xf32, #tpu.memory_space<vmem>>, vector<16xf32>,
      %mul3A_104 = arith.mulf %get3A_103, %get3A_103 : vector<16xf32>
      %add3A_105 = arith.addf %add3A_97, %mul3A_104 : vector<16xf32>
      %mul3A_106 = arith.constant 16 : i32
      %mul3A_107 = arith.muli %while3A_89, %mul3A_106 : i32
      %get3A_108 = arith.constant 2 : i32
      %get3A_109 = arith.index_cast %get3A_108 : i32 to index
      %get3A_110 = arith.index_cast %mul3A_107 : i32 to index
      %get3A_111 = tpu.vector_load %arg9[%get3A_109, %get3A_110] {strides = array<i32>} : memref<4x10000xf32, #tpu.memory_space<vmem>>, vector<16xf32>,
      %mul3A_112 = arith.mulf %get3A_111, %get3A_111 : vector<16xf32>
      %add3A_113 = arith.addf %add3A_105, %mul3A_112 : vector<16xf32>
      %mul3A_114 = arith.constant 16 : i32
      %mul3A_115 = arith.muli %while3A_89, %mul3A_114 : i32
      %get3A_116 = arith.constant 3 : i32
      %get3A_117 = arith.index_cast %get3A_116 : i32 to index
      %get3A_118 = arith.index_cast %mul3A_115 : i32 to index
      %get3A_119 = tpu.vector_load %arg9[%get3A_117, %get3A_118] {strides = array<i32>} : memref<4x10000xf32, #tpu.memory_space<vmem>>, vector<16xf32>,
      %mul3A_120 = arith.mulf %get3A_119, %get3A_119 : vector<16xf32>
      %add3A_121 = arith.addf %add3A_113, %mul3A_120 : vector<16xf32>
      scf.yield %add3A_121 : vector<16xf32>
    }
    %swap3A = arith.constant 0 : index
    %swap3A_88 = tpu.vector_load %arg13[%swap3A] {strides = array<i32>} : memref<16xf32, #tpu.memory_space<vmem>>, vector<16xf32>,
    tpu.vector_store %arg13[%swap3A], %while3A_87 {strides = array<i32>} : memref<16xf32, #tpu.memory_space<vmem>>, vector<16xf32>,
    "tpu.region"() ({
      %run_scoped3A = tpu.sem_alloc : memref<!tpu.dma_semaphore, #tpu.memory_space<semaphore_mem>>
      %dma_start3A = arith.constant 0 : i32
      %dma_start3A_89 = tpu.memref_slice %arg6[%mul3A_2, %dma_start3A] : memref<128x10000xf32, #tpu.memory_space<hbm>> -> memref<4x10000xf32, #tpu.memory_space<hbm>>
      %dma_start3A_90 = arith.constant 0 : i32
      %dma_start3A_91 = tpu.memref_slice %arg6[%mul3A_2, %dma_start3A_90] : memref<128x10000xf32, #tpu.memory_space<hbm>> -> memref<4x10000xf32, #tpu.memory_space<hbm>>
      tpu.enqueue_dma source(%arg9 : memref<4x10000xf32, #tpu.memory_space<vmem>>) target(%dma_start3A_91 : memref<4x10000xf32, #tpu.memory_space<hbm>>) target_semaphore(%run_scoped3A : memref<!tpu.dma_semaphore, #tpu.memory_space<semaphore_mem>>)
      %dma_wait3A = arith.constant 0 : i32
      %dma_wait3A_92 = tpu.memref_slice %arg6[%mul3A_2, %dma_wait3A] : memref<128x10000xf32, #tpu.memory_space<hbm>> -> memref<4x10000xf32, #tpu.memory_space<hbm>>
      %dma_wait3A_93 = arith.constant 0 : i32
      %dma_wait3A_94 = tpu.memref_slice %arg6[%mul3A_2, %dma_wait3A_93] : memref<128x10000xf32, #tpu.memory_space<hbm>> -> memref<4x10000xf32, #tpu.memory_space<hbm>>
      tpu.wait_dma2 semaphore(%run_scoped3A : memref<!tpu.dma_semaphore, #tpu.memory_space<semaphore_mem>>) src(%arg9 : memref<4x10000xf32, #tpu.memory_space<vmem>>) dst(%dma_wait3A_94 : memref<4x10000xf32, #tpu.memory_space<hbm>>)
      tpu.yield
    }) : () -> ()
    "tpu.region"() ({
      %run_scoped3A = tpu.sem_alloc : memref<!tpu.dma_semaphore, #tpu.memory_space<semaphore_mem>>
      %dma_start3A = arith.constant 0 : i32
      %dma_start3A_89 = tpu.memref_slice %arg7[%add3A, %dma_start3A] : memref<32x16xf32, #tpu.memory_space<hbm>> -> memref<1x16xf32, #tpu.memory_space<hbm>>
      %dma_start3A_90 = tpu.memref_squeeze %dma_start3A_89 : memref<1x16xf32, #tpu.memory_space<hbm>> -> memref<16xf32, #tpu.memory_space<hbm>>
      %dma_start3A_91 = arith.constant 0 : i32
      %dma_start3A_92 = tpu.memref_slice %arg7[%add3A, %dma_start3A_91] : memref<32x16xf32, #tpu.memory_space<hbm>> -> memref<1x16xf32, #tpu.memory_space<hbm>>
      %dma_start3A_93 = tpu.memref_squeeze %dma_start3A_92 : memref<1x16xf32, #tpu.memory_space<hbm>> -> memref<16xf32, #tpu.memory_space<hbm>>
      tpu.enqueue_dma source(%arg13 : memref<16xf32, #tpu.memory_space<vmem>>) target(%dma_start3A_93 : memref<16xf32, #tpu.memory_space<hbm>>) target_semaphore(%run_scoped3A : memref<!tpu.dma_semaphore, #tpu.memory_space<semaphore_mem>>)
      %dma_wait3A = arith.constant 0 : i32
      %dma_wait3A_94 = tpu.memref_slice %arg7[%add3A, %dma_wait3A] : memref<32x16xf32, #tpu.memory_space<hbm>> -> memref<1x16xf32, #tpu.memory_space<hbm>>
      %dma_wait3A_95 = tpu.memref_squeeze %dma_wait3A_94 : memref<1x16xf32, #tpu.memory_space<hbm>> -> memref<16xf32, #tpu.memory_space<hbm>>
      %dma_wait3A_96 = arith.constant 0 : i32
      %dma_wait3A_97 = tpu.memref_slice %arg7[%add3A, %dma_wait3A_96] : memref<32x16xf32, #tpu.memory_space<hbm>> -> memref<1x16xf32, #tpu.memory_space<hbm>>
      %dma_wait3A_98 = tpu.memref_squeeze %dma_wait3A_97 : memref<1x16xf32, #tpu.memory_space<hbm>> -> memref<16xf32, #tpu.memory_space<hbm>>
      tpu.wait_dma2 semaphore(%run_scoped3A : memref<!tpu.dma_semaphore, #tpu.memory_space<semaphore_mem>>) src(%arg13 : memref<16xf32, #tpu.memory_space<vmem>>) dst(%dma_wait3A_98 : memref<16xf32, #tpu.memory_space<hbm>>)
      tpu.yield
    }) : () -> ()
    return
  }
}

</mosaic_0001>

<sc_bundles>
// kernel: kernel.3.cloned.1.call-start
scs
__scs_entry_jumppad:
0x0: {  	(pc) =	sbr.rel $0x88, $3  }
0x1: {  	(tag) =	ssettag $0x0;
	lr =	simm.s32 $0x1  }
0x2: {  	[smem:$0x3F9D] =	sst lr;
	_ =	strace $0xD0000000  }
0x3: {  	_ = 	snop  }
0x4: {  	_ = 	snop  }
0x5: {  	_ = 	snop  }
0x6: {  	_ = 	snop  }
0x7: {  	_ = 	snop  }
__scs_overlays_trampoline_lowered:
0x8: {  	[smem:$0x3FAC] =	sst s0  }
0x9: {  	[smem:$0x3FAD] =	sst s1  }
0xa: {  	[smem:$0x3FAE] =	sst s2  }
0xb: {  	[smem:$0x3FAF] =	sst s3  }
0xc: {  	[smem:$0x3FB0] =	sst s4  }
0xd: {  	[smem:$0x3FB1] =	sst s5  }
0xe: {  	[smem:$0x3FB2] =	sst s6  }
0xf: {  	[smem:$0x3FB3] =	sst s7  }
0x10: {  	[smem:$0x3FB4] =	sst s8  }
0x11: {  	[smem:$0x3FB5] =	sst s9;
	s0 =	simm.s32 @!p0 $0x0  }
0x12: {  	s1 =	sld [smem:$0x3F9B];
	s0 =	simm.s32 @p0 $0x1  }
0x13: {  	[smem:$0x3FB6] =	sst s0;
	s0 =	simm.s32 @!p1 $0x0  }
0x14: {  	s2 =	sld [smem:$0x3F9A];
	s0 =	simm.s32 @p1 $0x1  }
0x15: {  	[smem:$0x3FB7] =	sst s0;
	s0 =	simm.s32 @!p2 $0x0  }
0x16: {  	s3 =	sld [smem:$0x3FDB];
	s0 =	simm.s32 @p2 $0x1  }
0x17: {  	s4 =	simm.s32 $0x1BF5;
	[smem:$0x3FB9] =	sst s0  }
0x18: {  	s0 =	sld [smem:$0x3F9C];
	_ =	swait.ge [sflag:s4], $0x0  }
0x19: {  	s7 =	sld [smem:$0x3F9D]  }
0x1a: {  	s8 =	sadd.s32 $0xFFFFE003, lr  }
0x1b: {  	s9 =	sadd.s32 $0xFFFFFEF7, lr;
	s5 =	simm.s32 $0xFFFFFFFF;
	p2 =	slt.u32 s8, $0xFFFFF086  }
0x1c: {  	p1 =	slt.u32 s9, $0xF7A;
	s5 =	simm.s32 @!p2 $0x0  }
0x1d: {  	s5 =	simm.s32 @p1 $0x1;
	p0 =	seq.s32 s7, s2  }
0x1e: {  	s7 =	smul.u32 @!p0 $0xF7A, s2;
	p2 =	seq.s32 @!p0 s5, $0x0  }
0x1f: {  	s9 =	smul.u32 $0xF7A, s1;
	s8 =	simm.s32 @!p0 $0x1BF5;
	p2 =	por !p2, p0  }
0x20: {  	[sflag:s8] =	ssyncset.s32 @!p0 $0xFFFFF086;
	s6 =	sadd.s32 @!p0 s3, s7;
	s7 =	simm.s32 @!p0 $0x108  }
0x21: {  	s3 =	sadd.s32 s3, s9;
	s6 =	sadd.s32 @!p0 $0x88, s6;
	s7 =	simm.s32 @p2 $0x1082  }
0x22: {  	[simem:s7], [sflag:s8] =	dma.local @!p0 [hbm:s6], $0xF7A  }
0x23: {  	s9 =	sor.u32 $0xD0000000, s2;
	s6 =	simm.s32 $0x108;
	_ =	swait.ge @!p0 [sflag:s8], $0x0  }
0x24: {  	s3 =	sadd.s32 $0x88, s3;
	s6 =	simm.s32 @!p1 $0x1082;
	[sflag:s4] =	ssyncset.s32 $0xFFFFF086  }
0x25: {  	[simem:s6], [sflag:s4] =	dma.local [hbm:s3], $0xF7A  }
0x26: {  	[smem:$0x3F9D] =	sst s1;
	(tag) =	ssettag s2;
	_ =	strace s9  }
0x27: {  	s1 =	sld [smem:$0x3FAD]  }
0x28: {  	s2 =	sld [smem:$0x3FAE]  }
0x29: {  	s4 =	sld [smem:$0x3FB0]  }
0x2a: {  	p0 =	seq.s32 s5, $0x0;
	s5 =	sld [smem:$0x3FB1]  }
0x2b: {  	s6 =	sld [smem:$0x3FB2]  }
0x2c: {  	s7 =	sld [smem:$0x3FB3]  }
0x2d: {  	s3 =	simm.s32 $0x108;
	s8 =	sld [smem:$0x3FB4]  }
0x2e: {  	s3 =	simm.s32 @!p0 $0x1082;
	s9 =	sld [smem:$0x3FB5]  }
0x2f: {  	lr =	sadd.s32 s0, s3;
	s0 =	sld [smem:$0x3FAC]  }
0x30: {  	s3 =	sld [smem:$0x3FAF]  }
0x31: {  	[smem:$0x3FB8] =	sst s10  }
0x32: {  	s10 =	sld [smem:$0x3FB6];
	_ =	sdelay $0x3  }
0x33: {  	p0 =	seq.s32 s10, $0x1;
	s10 =	sld [smem:$0x3FB8];
	_ =	sdelay $0x3  }
0x34: {  	[smem:$0x3FB8] =	sst s10  }
0x35: {  	s10 =	sld [smem:$0x3FB7];
	_ =	sdelay $0x3  }
0x36: {  	p1 =	seq.s32 s10, $0x1;
	s10 =	sld [smem:$0x3FB8];
	_ =	sdelay $0x3  }
0x37: {  	[smem:$0x3FB8] =	sst s10  }
0x38: {  	s10 =	sld [smem:$0x3FB9]  }
0x39: {  	_ = 	snop;
	(pc) =	sbr.ind lr, $3  }
0x3a: {  	_ = 	snop  }
0x3b: {  	_ = 	snop  }
0x3c: {  	p2 =	seq.s32 s10, $0x1;
	s10 =	sld [smem:$0x3FB8]  }
0x3d: {  	_ =	shalt  }
0x3e: {  	_ =	shalt  }
0x3f: {  	_ =	shalt  }
0x40: {  	_ =	shalt  }
0x41: {  	_ =	shalt  }
0x42: {  	_ =	shalt  }
0x43: {  	_ =	shalt  }
0x44: {  	_ =	shalt  }
0x45: {  	_ =	shalt  }
0x46: {  	_ =	shalt  }
0x47: {  	_ =	shalt  }
0x48: {  	_ =	shalt  }
0x49: {  	_ =	shalt  }
0x4a: {  	_ =	shalt  }
0x4b: {  	_ =	shalt  }
0x4c: {  	_ =	shalt  }
0x4d: {  	_ =	shalt  }
0x4e: {  	_ =	shalt  }
0x4f: {  	_ =	shalt  }
0x50: {  	_ =	shalt  }
0x51: {  	_ =	shalt  }
0x52: {  	_ =	shalt  }
0x53: {  	_ =	shalt  }
0x54: {  	_ =	shalt  }
0x55: {  	_ =	shalt  }
0x56: {  	_ =	shalt  }
0x57: {  	_ =	shalt  }
0x58: {  	_ =	shalt  }
0x59: {  	_ =	shalt  }
0x5a: {  	_ =	shalt  }
0x5b: {  	_ =	shalt  }
0x5c: {  	_ =	shalt  }
0x5d: {  	_ =	shalt  }
0x5e: {  	_ =	shalt  }
0x5f: {  	_ =	shalt  }
0x60: {  	_ =	shalt  }
0x61: {  	_ =	shalt  }
0x62: {  	_ =	shalt  }
0x63: {  	_ =	shalt  }
0x64: {  	_ =	shalt  }
0x65: {  	_ =	shalt  }
0x66: {  	_ =	shalt  }
0x67: {  	_ =	shalt  }
0x68: {  	_ =	shalt  }
0x69: {  	_ =	shalt  }
0x6a: {  	_ =	shalt  }
0x6b: {  	_ =	shalt  }
0x6c: {  	_ =	shalt  }
0x6d: {  	_ =	shalt  }
0x6e: {  	_ =	shalt  }
0x6f: {  	_ =	shalt  }
0x70: {  	_ =	shalt  }
0x71: {  	_ =	shalt  }
0x72: {  	_ =	shalt  }
0x73: {  	_ =	shalt  }
0x74: {  	_ =	shalt  }
0x75: {  	_ =	shalt  }
0x76: {  	_ =	shalt  }
0x77: {  	_ =	shalt  }
0x78: {  	_ =	shalt  }
0x79: {  	_ =	shalt  }
0x7a: {  	_ =	shalt  }
0x7b: {  	_ =	shalt  }
0x7c: {  	_ =	shalt  }
0x7d: {  	_ =	shalt  }
0x7e: {  	_ =	shalt  }
0x7f: {  	_ =	shalt  }
0x80: {  	_ =	shalt  }
0x81: {  	_ =	shalt  }
0x82: {  	_ =	shalt  }
0x83: {  	_ =	shalt  }
0x84: {  	_ =	shalt  }
0x85: {  	_ =	shalt  }
0x86: {  	_ =	shalt  }
0x87: {  	_ =	shalt  }
.Lfunc_end0:
.L_simem_size_0:
called_computation_lowered:
.L_overlay_start_0:
0x88: {  	s2 =	sld [smem:$0x3FD9]  }
0x89: {  	s3 =	sld [smem:$0x3FFE];
	_ =	sdelay $0x1  }
0x8a: {  	s1 =	srdreg.scid  }
0x8b: {  	s0 =	sand.u32 $0x1, s1  }
0x8c: {  	s14 =	sshll.u32 s0, $0xA;
	s2 =	sadd.s32 s3, s2  }
0x8d: {  	s2 =	sadd.s32 s2, s14  }
0x8e: {  	[smem:$0x3FC4] =	sst s2  }
0x8f: {  	_ = 	snop  }
0x90: {  	s2 =	sld [smem:$0x3FD0];
	_ =	sdelay $0x2  }
0x91: {  	s4 =	simm.s32 $0xA;
	s5 =	simm.s32 $0x10;
	s15 =	sld [smem:$0x3FC6]  }
0x92: {  	[smem:s5], [sflag:s4] =	dma.local [hbm:s2], $0x1  }
0x93: {  	_ =	swait.eq [sflag:s4], $0x1  }
0x94: {  	[sflag:s4] =	ssyncset.done $0x0  }
0x95: {  	s16 =	sld [smem:$0x10];
	[sflag:s4] =	ssyncadd.s32 $0xFFFFFFFF  }
0x96: {  	s17 =	sld [smem:$0x11];
	(tm) =	ssettm $0x1  }
0x97: {  	s18 =	sld [smem:$0x3FFB];
	_ =	sdelay $0x3  }
0x98: {  	_ =	strace s18  }
0x99: {  	s5 =	sld [smem:$0x3FFC];
	_ =	sdelay $0x3  }
0x9a: {  	_ =	strace s5  }
0x9b: {  	s5 =	sld [smem:$0x3FFD];
	_ =	sdelay $0x3  }
0x9c: {  	_ =	strace s5  }
0x9d: {  	_ =	strace $0x8FFFFFFF  }
0x9e: {  	s19 =	sld [smem:$0x3FDB];
	_ =	sdelay $0x1  }
0x9f: {  	s6 =	simm.s32 $_scs_section_size  }
0xa0: {  	s7 =	simm.s32 $_size__tile_overlayer_lowered;
	s8 =	simm.s32 $_tile_overlayer_lowered  }
0xa1: {  	s22 =	simm.s32 $0x1BFF;
	s21 =	sshll.u32 s8, $0x1;
	s5 =	sadd.s32 s6, s19  }
0xa2: {  	s9 =	simm.s32 $0x0;
	s20 =	sshll.u32 s7, $0x1;
	s7 =	sadd.s32 s21, s5  }
0xa3: {  	[timem:s9], [sflag:s22] =	dma.local [hbm:s7], s20  }
0xa4: {  	_ =	swait.ge [sflag:s22], s20  }
0xa5: {  	s6 =	ssub.s32 $0x0, s20;
	[sflag:s22] =	ssyncset.done $0x0  }
0xa6: {  	[sflag:s22] =	ssyncadd.s32 s6;
	_ =	sdelay $0x1  }
0xa7: {  	s23 =	simm.s32 $0x1B8B  }
0xa8: {  	_ =	swait.ge [sflag:s23], $0x1  }
0xa9: {  	[sflag:s23] =	ssyncset.done $0x0  }
0xaa: {  	s25 =	simm.s32 $0x1B8E;
	s24 =	sld [smem:$0x3FFE];
	[sflag:s23] =	ssyncadd.s32 $0xFFFFFFFF  }
0xab: {  	s26 =	simm.s32 $execute0_lowered;
	[smem:$0x3FD2] =	sst s25  }
0xac: {  	s7 =	sshll.u32 s26, $0x1;
	_ =	strace $0x80000046;
	[dreg:$0x1] =	wrdreg $0xFFFFFFFF  }
0xad: {  	s28 =	simm.s32 $_size_execute0_lowered;
	s5 =	sadd.s32 s5, s7;
	[dreg:$0x0] =	wrdreg $0x0  }
0xae: {  	s7 =	sshll.u32 s28, $0x1;
	[dreg:$0x2] =	wrdreg s5  }
0xaf: {  	[dreg:$0x3] =	wrdreg s7  }
0xb0: {  	[dreg:$0x4] =	wrdreg $0xC0  }
0xb1: {  	_ =	task [dreg:s9], $0x5FFFF  }
0xb2: {  	[dreg:$0x1] =	wrdreg $0xFFFFFFFF  }
0xb3: {  	[dreg:$0x0] =	wrdreg $0x60  }
0xb4: {  	[dreg:$0x2] =	wrdreg s24  }
0xb5: {  	[dreg:$0x3] =	wrdreg s16  }
0xb6: {  	[dreg:$0x4] =	wrdreg s17  }
0xb7: {  	[dreg:$0x5] =	wrdreg s15  }
0xb8: {  	[dreg:$0x6] =	wrdreg $0x9  }
0xb9: {  	_ =	task.clear_ibuf [dreg:s9], $0x7FFFF;
	_ =	strace $0x90000046  }
0xba: {  	s29 =	simm.s32 $0x9;
	_ =	strace $0x80000048  }
0xbb: {  	_ =	swait.ge [sflag:s29], $0x1  }
0xbc: {  	[sflag:s29] =	ssyncadd.s32 $0xFFFFFFFF  }
0xbd: {  	_ =	strace $0x90000048  }
0xbe: {  	_ =	sfence  }
0xbf: {  	s30 =	sld [smem:$0x0];
	_ =	sdelay $0x2  }
0xc0: {  	s31 =	sshll.u32 s1, $0xD;
	s1 =	sshrl.u32 s1, $0x2  }
0xc1: {  	s3 =	sand.u32 $0x4000, s31;
	s1 =	sadd.s32 s1, s30  }
0xc2: {  	s0 =	sor.u32 s3, s0;
	s1 =	sshll.u32 s1, $0x11  }
0xc3: {  	s0 =	sor.u32 s1, s0  }
0xc4: {  	s0 =	sadd.s32 $0x8F2B, s0  }
0xc5: {  	[sflag:s0] =	ssyncadd.remote.s32 $0x1  }
0xc6: {  	_ =	sfence.sel $0xFFFF  }
0xc7: {  	[dreg:$0x0] =	wrdreg $0xFFFFFFFF;
	(pc) =	sbr.abs _section_cstart, $3  }
0xc8: {  	[dreg:$0x1] =	wrdreg $0xFFFFFFFF  }
0xc9: {  	_ =	task.clear_ibuf [dreg:s9], $0x2FFFF;
	_ =	strace $0x9FFFFFFF  }
0xca: {  	(tm) =	ssettm $0x7FFFFFFF  }
0xcb: {  	_ =	shalt  }
tec
execute0_lowered:
.L_overlay_start_1:
0x0: {  	(tag) =	ssettag $0x1  }
0x1: {  	s6 =	rddreg [dreg:$0x0]  }
0x2: {  	s1 =	rddreg [dreg:$0x1]  }
0x3: {  	s3 =	rddreg [dreg:$0x2];
	s2 =	srdreg.scid  }
0x4: {  	s0 =	stileid.u32;
	s4 =	rddreg [dreg:$0x3]  }
0x5: {  	s5 =	simm.s32 $0x0;
	s12 =	simm.s32 $0x1;
	s13 =	simm.s32 $0x9E00  }
0x6: {  	s14 =	simm.s32 $0x1D300;
	s7 =	sand.u32 $0x1, s2;
	s2 =	rddreg [dreg:$0x4]  }
0x7: {  	s15 =	simm.s32 $0x0;
	s8 =	smul.u32 $0x13C00, s0;
	[smem:$0x7FF] =	sst s5  }
0x8: {  	s10 =	sshll.u32 s0, $0x5;
	s9 =	sshll.u32 s7, $0x9;
	_ =	strace $0x80000047  }
0x9: {  	s30 =	sshll.u32 s7, $0x4;
	s7 =	ssub.s32 $0x2, s7;
	s8 =	sor.u32 s9, s8  }
0xa: {  	s9 =	sadd.s32 s30, s6;
	s31 =	sshrl.u32 s7, $0x1;
	s8 =	sshrl.u32 s8, $0x3  }
0xb: {  	s11 =	ssub.s32 s7, s31;
	s9 =	sadd.s32 s10, s9;
	s8 =	sadd.s32 s8, s6  }
0xc: {  	s10 =	simm.s32 $0x200;
	s6 =	sadd.s32 $0x600, s8;
	s7 =	sadd.s32 $0x28000, s8  }
0xd: {  	v0 =	vimm.f32 $0.0e+00;
	s8 =	sadd.s32 $0x27E00, s9;
	s9 =	smax.u32 s11, $0x1;
	s11 =	simm.s32 $0x400  }
.LBB2_1:
0xe: {  	[tilespmem:s5], [sflag:$0x1] =	stream.strided.gather [hbm4b:s6+s10], $0x9E00, s11, s10, $0x38;
	[tilespmem:$0x1D380] =	vst v63  }
0xf: {  	_ =	swait.ge [sflag:s12], $0x9E00  }
0x10: {  	s16 =	sand.u32 $0x70, s5;
	s17 =	sand.u32 $0xFE00, s5;
	[sflag:s12] =	ssyncset.done $0x0  }
0x11: {  	s19 =	sor.u32 s16, s17;
	[sflag:s12] =	ssyncadd.s32 $0xFFFF6200  }
0x12: {  	[tilespmem:s19+$0x9F80] =	vst v0  }
0x13: {  	[tilespmem:s19+$0x9E00] =	vst v0  }
0x14: {  	s18 =	simm.s32 $0x0;
	s17 =	simm.s32 $0x10;
	[tilespmem:s19+$0x9E80] =	vst v0  }
.LBB2_2:
0x15: {  	s16 =	sand.u32 $0x70, s17;
	[tilespmem:s19+$0x9F00] =	vst v0;
	s18 =	sadd.s32 $0x40, s18;
	p0 =	sne.s32 s17, $0x2700  }
.Ltmp0:
0x16: {  	s17 =	sadd.s32 $0x10, s17;
	s19 =	sand.u32 $0xFE00, s18;
	(pc) =	sbr.rel @p0 .LBB2_2-.Ltmp0, $4  }
0x17: {  	s19 =	sor.u32 s16, s19  }
0x18: {  	s16 =	simm.s32 $0x0;
	[tilespmem:s19+$0x9F80] =	vst v0  }
0x19: {  	[tilespmem:s19+$0x9E00] =	vst v0  }
0x1a: {  	[tilespmem:s19+$0x9E80] =	vst v0  }
0x1b: {  	[tilespmem:s19+$0x9F00] =	vst v0  }
.LBB2_4:
0x1c: {  	s17 =	smul.u32 $0x320, s16;
	_ =	sdelay $0x1  }
0x1d: {  	s19 =	simm.s32 $0x13C00;
	s18 =	sadd.s32 s1, s17  }
0x1e: {  	s20 =	simm.s32 $0x10;
	s21 =	simm.s32 $0x13D00;
	s22 =	sadd.s32 $0x0, s18  }
.LBB2_5:
0x1f: {  	[tilespmem:s19], [sflag:$0x1] =	stream.linear.gather [hbm4b:s22+s5], $0x80, $0x38;
	[tilespmem:$0x1D380] =	vst v63  }
0x20: {  	s22 =	smov.u32 s20;
	s19 =	smov.u32 s21;
	p0 =	sne.s32 s20, $0x310  }
.Ltmp1:
0x21: {  	s20 =	sadd.s32 $0x10, s20;
	(pc) =	sbr.rel @p0 .LBB2_5-.Ltmp1, $2  }
0x22: {  	_ =	sdelay $0x2  }
0x23: {  	s21 =	sadd.s32 $0x100, s21;
	s22 =	sadd.s32 s22, s18  }
0x24: {  	[tilespmem:s19], [sflag:$0x1] =	stream.linear.gather [hbm4b:s22+s5], $0x80, $0x38;
	[tilespmem:$0x1D380] =	vst v63  }
0x25: {  	s18 =	sadd.s32 s3, s17;
	_ =	swait.ge [sflag:s12], $0x1900  }
0x26: {  	s19 =	simm.s32 $0x16E00;
	s20 =	simm.s32 $0x10;
	[sflag:s12] =	ssyncset.done $0x0  }
0x27: {  	s21 =	simm.s32 $0x16F00;
	s22 =	sadd.s32 $0x0, s18;
	[sflag:s12] =	ssyncadd.s32 $0xFFFFE700  }
.LBB2_7:
0x28: {  	[tilespmem:s19], [sflag:$0x1] =	stream.linear.gather [hbm4b:s22+s5], $0x80, $0x38;
	[tilespmem:$0x1D380] =	vst v63  }
0x29: {  	s22 =	smov.u32 s20;
	s19 =	smov.u32 s21;
	p0 =	sne.s32 s20, $0x310  }
.Ltmp2:
0x2a: {  	s20 =	sadd.s32 $0x10, s20;
	(pc) =	sbr.rel @p0 .LBB2_7-.Ltmp2, $2  }
0x2b: {  	_ =	sdelay $0x2  }
0x2c: {  	s21 =	sadd.s32 $0x100, s21;
	s22 =	sadd.s32 s22, s18  }
0x2d: {  	[tilespmem:s19], [sflag:$0x1] =	stream.linear.gather [hbm4b:s22+s5], $0x80, $0x38;
	[tilespmem:$0x1D380] =	vst v63  }
0x2e: {  	s17 =	sadd.s32 s4, s17;
	_ =	swait.ge [sflag:s12], $0x1900  }
0x2f: {  	s18 =	simm.s32 $0x1A100;
	s19 =	simm.s32 $0x10;
	[sflag:s12] =	ssyncset.done $0x0  }
0x30: {  	s20 =	simm.s32 $0x1A200;
	s21 =	sadd.s32 $0x0, s17;
	[sflag:s12] =	ssyncadd.s32 $0xFFFFE700  }
.LBB2_9:
0x31: {  	[tilespmem:s18], [sflag:$0x1] =	stream.linear.gather [hbm4b:s21+s5], $0x80, $0x38;
	[tilespmem:$0x1D380] =	vst v63  }
0x32: {  	s21 =	smov.u32 s19;
	s18 =	smov.u32 s20;
	p0 =	sne.s32 s19, $0x310  }
.Ltmp3:
0x33: {  	s19 =	sadd.s32 $0x10, s19;
	(pc) =	sbr.rel @p0 .LBB2_9-.Ltmp3, $2  }
0x34: {  	_ =	sdelay $0x2  }
0x35: {  	s20 =	sadd.s32 $0x100, s20;
	s21 =	sadd.s32 s21, s17  }
0x36: {  	[tilespmem:s18], [sflag:$0x1] =	stream.linear.gather [hbm4b:s21+s5], $0x80, $0x38;
	[tilespmem:$0x1D380] =	vst v63  }
0x37: {  	s17 =	simm.s32 $0x0;
	_ =	swait.ge [sflag:s12], $0x1900  }
0x38: {  	s30 =	sand.u32 $0x70, s17;
	s17 =	sand.u32 $0x3F00, s17;
	[sflag:s12] =	ssyncset.done $0x0  }
0x39: {  	s17 =	sor.u32 s30, s17;
	[sflag:s12] =	ssyncadd.s32 $0xFFFFE700  }
0x3a: {  	v1 =	vld [tilespmem:s17+$0x13C00];
	_ =	sdelay $0x4  }
0x3b: {  	v2 =	vshll.u32 v1, $0x2  }
0x3c: {  	v1 =	vand.u32 $0x7F, v1;
	v2 =	vand.u32 $0xFFFFFE00, v2  }
0x3d: {  	v3 =	vld [tilespmem:s17+$0x16E00];
	v1 =	vor.u32 v1, v2;
	_ =	sdelay $0x3  }
0x3e: {  	v2 =	vld [tilespmem:s17+$0x1A100]  }
0x3f: {  	v5 =	vshll.u32 v3, $0x2;
	v4 =	vld.idx.msk [tilespmem:v1+s5+$0x0], $0xffff  }
0x40: {  	v3 =	vand.u32 $0x7F, v3;
	v5 =	vand.u32 $0xFFFFFE00, v5  }
0x41: {  	v3 =	vor.u32 v3, v5  }
0x42: {  	v61 =	vor.u32 $0x80, v1;
	_ =	sdelay $0x1  }
0x43: {  	v4 =	vmul.f32 v4, v2;
	_ =	sdelay $0x1  }
0x44: {  	[tilespmem:v3+s13+$0x0] =	vst.idx.add.f32.msk $0xffff, v4  }
0x45: {  	v4 =	vld.idx.msk [tilespmem:v61+s5+$0x0], $0xffff;
	_ =	sdelay $0x1  }
0x46: {  	v62 =	vor.u32 $0x80, v3  }
0x47: {  	v6 =	vor.u32 $0x100, v1;
	_ =	sdelay $0x1  }
0x48: {  	v4 =	vmul.f32 v4, v2;
	_ =	sdelay $0x1  }
0x49: {  	[tilespmem:v62+s13+$0x0] =	vst.idx.add.f32.msk $0xffff, v4  }
0x4a: {  	v4 =	vld.idx.msk [tilespmem:v6+s5+$0x0], $0xffff;
	_ =	sdelay $0x1  }
0x4b: {  	v63 =	vor.u32 $0x100, v3  }
0x4c: {  	v1 =	vor.u32 $0x180, v1;
	_ =	sdelay $0x1  }
0x4d: {  	v4 =	vmul.f32 v4, v2;
	_ =	sdelay $0x1  }
0x4e: {  	[tilespmem:v63+s13+$0x0] =	vst.idx.add.f32.msk $0xffff, v4  }
0x4f: {  	v4 =	vld.idx.msk [tilespmem:v1+s5+$0x0], $0xffff;
	_ =	sdelay $0x1  }
0x50: {  	v1 =	vor.u32 $0x180, v3;
	_ =	sdelay $0x2  }
0x51: {  	s31 =	simm.s32 $0x10;
	s17 =	simm.s32 $0x20;
	v2 =	vmul.f32 v4, v2  }
0x52: {  	s18 =	simm.s32 $0x20;
	s19 =	sand.u32 $0x70, s31;
	s20 =	sand.u32 $0x3F00, s17  }
.LBB2_11:
0x53: {  	p0 =	sne.s32 s18, $0x18F0;
	s19 =	sor.u32 s19, s20;
	[tilespmem:v1+s13+$0x0] =	vst.idx.add.f32.msk $0xffff, v2  }
0x54: {  	v1 =	vld [tilespmem:s19+$0x13C00]  }
0x55: {  	v2 =	vld [tilespmem:s19+$0x16E00]  }
0x56: {  	v3 =	vld [tilespmem:s19+$0x1A100];
	_ =	sdelay $0x2  }
0x57: {  	v4 =	vshll.u32 v1, $0x2  }
0x58: {  	v1 =	vand.u32 $0x7F, v1;
	v4 =	vand.u32 $0xFFFFFE00, v4  }
0x59: {  	v1 =	vor.u32 v1, v4;
	_ =	sdelay $0x4  }
0x5a: {  	v4 =	vld.idx.msk [tilespmem:v1+s5+$0x0], $0xffff  }
0x5b: {  	v5 =	vshll.u32 v2, $0x2  }
0x5c: {  	v2 =	vand.u32 $0x7F, v2;
	v5 =	vand.u32 $0xFFFFFE00, v5  }
0x5d: {  	v2 =	vor.u32 v2, v5  }
0x5e: {  	v5 =	vor.u32 $0x80, v1;
	_ =	sdelay $0x1  }
0x5f: {  	v4 =	vmul.f32 v4, v3;
	_ =	sdelay $0x1  }
0x60: {  	[tilespmem:v2+s13+$0x0] =	vst.idx.add.f32.msk $0xffff, v4  }
0x61: {  	v4 =	vld.idx.msk [tilespmem:v5+s5+$0x0], $0xffff;
	_ =	sdelay $0x2  }
0x62: {  	v5 =	vor.u32 $0x80, v2  }
0x63: {  	v6 =	vor.u32 $0x100, v1;
	_ =	sdelay $0x1  }
0x64: {  	v4 =	vmul.f32 v4, v3;
	_ =	sdelay $0x1  }
0x65: {  	[tilespmem:v5+s13+$0x0] =	vst.idx.add.f32.msk $0xffff, v4  }
0x66: {  	v4 =	vld.idx.msk [tilespmem:v6+s5+$0x0], $0xffff;
	_ =	sdelay $0x2  }
0x67: {  	v5 =	vor.u32 $0x100, v2  }
0x68: {  	v1 =	vor.u32 $0x180, v1;
	_ =	sdelay $0x1  }
0x69: {  	v4 =	vmul.f32 v4, v3;
	_ =	sdelay $0x1  }
0x6a: {  	[tilespmem:v5+s13+$0x0] =	vst.idx.add.f32.msk $0xffff, v4  }
0x6b: {  	v4 =	vld.idx.msk [tilespmem:v1+s5+$0x0], $0xffff;
	_ =	sdelay $0x2  }
.Ltmp4:
0x6c: {  	v1 =	vor.u32 $0x180, v2;
	(pc) =	sbr.rel @p0 .LBB2_11-.Ltmp4, $3  }
0x6d: {  	_ =	sdelay $0x1  }
0x6e: {  	s17 =	sadd.s32 $0x20, s17;
	v2 =	vmul.f32 v4, v3  }
0x6f: {  	s20 =	sand.u32 $0x3F00, s17;
	s19 =	sand.u32 $0x70, s18;
	s18 =	sadd.s32 $0x10, s18  }
0x70: {  	_ =	sdelay $0x3  }
0x71: {  	s17 =	sor.u32 s19, s20;
	[tilespmem:v1+s13+$0x0] =	vst.idx.add.f32.msk $0xffff, v2  }
0x72: {  	v1 =	vld [tilespmem:s17+$0x13C00];
	_ =	sdelay $0x4  }
0x73: {  	v2 =	vshll.u32 v1, $0x2  }
0x74: {  	v1 =	vand.u32 $0x7F, v1;
	v2 =	vand.u32 $0xFFFFFE00, v2  }
0x75: {  	v3 =	vld [tilespmem:s17+$0x16E00];
	v1 =	vor.u32 v1, v2;
	_ =	sdelay $0x3  }
0x76: {  	v2 =	vld [tilespmem:s17+$0x1A100]  }
0x77: {  	v5 =	vshll.u32 v3, $0x2;
	v4 =	vld.idx.msk [tilespmem:v1+s5+$0x0], $0xffff  }
0x78: {  	v3 =	vand.u32 $0x7F, v3;
	v5 =	vand.u32 $0xFFFFFE00, v5  }
0x79: {  	v3 =	vor.u32 v3, v5  }
0x7a: {  	v61 =	vor.u32 $0x80, v1;
	_ =	sdelay $0x1  }
0x7b: {  	v4 =	vmul.f32 v4, v2;
	_ =	sdelay $0x1  }
0x7c: {  	[tilespmem:v3+s13+$0x0] =	vst.idx.add.f32.msk $0xffff, v4  }
0x7d: {  	v4 =	vld.idx.msk [tilespmem:v61+s5+$0x0], $0xffff;
	_ =	sdelay $0x1  }
0x7e: {  	v62 =	vor.u32 $0x80, v3  }
0x7f: {  	v6 =	vor.u32 $0x100, v1;
	_ =	sdelay $0x1  }
0x80: {  	v4 =	vmul.f32 v4, v2;
	_ =	sdelay $0x1  }
0x81: {  	[tilespmem:v62+s13+$0x0] =	vst.idx.add.f32.msk $0xffff, v4  }
0x82: {  	v4 =	vld.idx.msk [tilespmem:v6+s5+$0x0], $0xffff;
	_ =	sdelay $0x1  }
0x83: {  	v63 =	vor.u32 $0x100, v3  }
0x84: {  	v1 =	vor.u32 $0x180, v1;
	_ =	sdelay $0x1  }
0x85: {  	v4 =	vmul.f32 v4, v2;
	_ =	sdelay $0x1  }
0x86: {  	[tilespmem:v63+s13+$0x0] =	vst.idx.add.f32.msk $0xffff, v4  }
0x87: {  	v1 =	vld.idx.msk [tilespmem:v1+s5+$0x0], $0xffff  }
0x88: {  	s16 =	sadd.s32 $0x1, s16  }
0x89: {  	p0 =	sne.s32 s16, $0x32;
	v3 =	vor.u32 $0x180, v3  }
.Ltmp5:
0x8a: {  	_ = 	snop;
	(pc) =	sbr.rel @p0 .LBB2_4-.Ltmp5, $3  }
0x8b: {  	_ = 	snop  }
0x8c: {  	v1 =	vmul.f32 v1, v2;
	_ =	sdelay $0x1  }
0x8d: {  	[tilespmem:v3+s13+$0x0] =	vst.idx.add.f32.msk $0xffff, v1  }
0x8e: {  	s16 =	simm.s32 $0x0  }
0x8f: {  	s17 =	sand.u32 $0x70, s16;
	s16 =	sand.u32 $0xFE00, s16  }
0x90: {  	s20 =	sor.u32 s17, s16  }
0x91: {  	v3 =	vld [tilespmem:s20+$0x9E00];
	_ =	sdelay $0x1  }
0x92: {  	v2 =	vld [tilespmem:s20+$0x9E80];
	_ =	sdelay $0x1  }
0x93: {  	v1 =	vld [tilespmem:s20+$0x9F00]  }
0x94: {  	s31 =	simm.s32 $0x10;
	s16 =	simm.s32 $0x40;
	v4 =	vmul.f32 v3, v3  }
0x95: {  	v5 =	vimm.f32 $0.0e+00;
	s18 =	sand.u32 $0x70, s31;
	s17 =	simm.s32 $0x20;
	s19 =	sand.u32 $0xFE00, s16;
	v3 =	vld [tilespmem:s20+$0x9F80]  }
.LBB2_14:
0x96: {  	p0 =	sne.s32 s17, $0x2700;
	s20 =	sor.u32 s18, s19;
	v4 =	vadd.f32 v4, v5;
	v2 =	vmul.f32 v2, v2  }
0x97: {  	v5 =	vld [tilespmem:s20+$0x9E00]  }
0x98: {  	v4 =	vadd.f32 v2, v4;
	v1 =	vmul.f32 v1, v1  }
.Ltmp6:
0x99: {  	v2 =	vld [tilespmem:s20+$0x9E80];
	(pc) =	sbr.rel @p0 .LBB2_14-.Ltmp6, $4  }
0x9a: {  	v6 =	vadd.f32 v1, v4;
	v3 =	vmul.f32 v3, v3  }
0x9b: {  	v1 =	vld [tilespmem:s20+$0x9F00]  }
0x9c: {  	s16 =	sadd.s32 $0x40, s16;
	v4 =	vmul.f32 v5, v5;
	v5 =	vadd.f32 v3, v6  }
0x9d: {  	s18 =	sand.u32 $0x70, s17;
	s17 =	sadd.s32 $0x10, s17;
	s19 =	sand.u32 $0xFE00, s16;
	v3 =	vld [tilespmem:s20+$0x9F80]  }
0x9e: {  	s16 =	sor.u32 s18, s19;
	v4 =	vadd.f32 v4, v5;
	v2 =	vmul.f32 v2, v2  }
0x9f: {  	v62 =	vld [tilespmem:s16+$0x9E00]  }
0xa0: {  	v2 =	vadd.f32 v2, v4;
	v1 =	vmul.f32 v1, v1  }
0xa1: {  	v63 =	vld [tilespmem:s16+$0x9E80]  }
0xa2: {  	v1 =	vadd.f32 v1, v2;
	v2 =	vmul.f32 v3, v3  }
0xa3: {  	v3 =	vld [tilespmem:s16+$0x9F00]  }
0xa4: {  	v5 =	vmul.f32 v62, v62;
	v1 =	vadd.f32 v2, v1  }
0xa5: {  	v2 =	vld [tilespmem:s16+$0x9F80]  }
0xa6: {  	v4 =	vmul.f32 v63, v63;
	v1 =	vadd.f32 v5, v1;
	_ =	sdelay $0x1  }
0xa7: {  	v3 =	vmul.f32 v3, v3;
	v1 =	vadd.f32 v4, v1;
	_ =	sdelay $0x1  }
0xa8: {  	v2 =	vmul.f32 v2, v2;
	v1 =	vadd.f32 v3, v1;
	_ =	sdelay $0x1  }
0xa9: {  	v1 =	vadd.f32 v2, v1;
	_ =	sdelay $0x1  }
0xaa: {  	[tilespmem:$0x1D300] =	vst v1  }
0xab: {  	[hbm4b:s7+s10] =	stream.strided.scatter [tilespmem:s13], [sflag:$0x1], $0x9E00, s11, s10, $0x38;
	[tilespmem:$0x1D380] =	vst v63  }
0xac: {  	s15 =	sadd.s32 $0x1, s15;
	_ =	swait.ge [sflag:s12], $0x9E00  }
0xad: {  	p0 =	sne.s32 s15, s9;
	[sflag:s12] =	ssyncset.done $0x0  }
.Ltmp7:
0xae: {  	[sflag:s12] =	ssyncadd.s32 $0xFFFF6200;
	(pc) =	sbr.rel @p0 .LBB2_1-.Ltmp7, $4  }
0xaf: {  	[hbm4b:s8+s5] =	stream.linear.scatter [tilespmem:s14], [sflag:$0x1], $0x80, $0x38;
	[tilespmem:$0x1D380] =	vst v63  }
0xb0: {  	_ =	swait.ge [sflag:s12], $0x80  }
0xb1: {  	[sflag:s12] =	ssyncset.done $0x0  }
0xb2: {  	[sflag:s12] =	ssyncadd.s32 $0xFFFFFF80  }
0xb3: {  	_ =	sfence.sel $0x180000  }
0xb4: {  	[bflag:$0x0] =	sbarrier.arrive $0xFFFF  }
0xb5: {  	p0 =	sne.s32 s0, $0x0;
	_ =	strace $0x90000047  }
0xb6: {  	s0 =	sadd.s32 @!p0 $0x100000, s2;
	[bflag:$0x2] =	sbarrier.arrive $0xFFFF  }
0xb7: {  	[sflag:s0] =	ssyncadd.tile.s32 @!p0 $0x1;
	_ =	shalt  }
.Lfunc_end2:
_tile_overlayer_lowered:
.L_overlay_start_2:
0xb8: {  	(tag) =	ssettag $0x2  }
0xb9: {  	s0 =	rddreg [dreg:$0x0];
	s2 =	stileid.u32  }
0xba: {  	s1 =	rddreg [dreg:$0x1];
	p0 =	sne.s32 s2, $0x0  }
0xbb: {  	s3 =	rddreg [dreg:$0x2];
	[bflag:$0x3] =	sbarrier.arrive $0xFFFF;
	s2 =	simm.s32 @!p0 $0x1C01  }
0xbc: {  	[timem:s3], [sflag:s2] =	dma.local @!p0 [hbm:s0], s1  }
0xbd: {  	s0 =	simm.s32 @!p0 $0x1  }
0xbe: {  	_ =	swait.ge @!p0 [sflag:s0], s1  }
0xbf: {  	s1 =	ssub.s32 @!p0 $0x0, s1;
	[sflag:s0] =	ssyncset.done @!p0 $0x0  }
0xc0: {  	[sflag:s0] =	ssyncadd.s32 @!p0 s1  }
0xc1: {  	[bflag:$0x3] =	sbarrier.arrive $0xFFFF  }
0xc2: {  	_ =	shalt  }

</sc_bundles>
